<compile_context>
chip_gen: v7x
topology: tpu7x:2x2x1
jax: 0.10.2.dev20260603
libtpu: 0.0.44.dev20260713+nightly
codegen_flags: <defaults>
</compile_context>

<pallas_src>
import functools

import jax
import jax.numpy as jnp
from jax import lax
from jax.experimental import pallas as pl
from jax.experimental.pallas import tpu as pltpu, tpu_sc as plsc

V = 1000000
F = 26
D = 13
E = 16
H1 = 64
H2 = 32
B = 4096
FE = F * E
BF = B * F

_NC, _NS = 2, 16
_NW = _NC * _NS
_BPW = BF // _NW
_CH = _BPW // 128


@functools.cache
def _sc_gather_fn():
    mesh = plsc.VectorSubcoreMesh(core_axis_name="c", subcore_axis_name="s")

    @functools.partial(
        pl.kernel,
        out_type=[
            jax.ShapeDtypeStruct((B, 512), jnp.float32),
            jax.ShapeDtypeStruct((BF // 128, 128), jnp.float32),
        ],
        mesh=mesh,
        scratch_types=[
            pltpu.VMEM((_CH, 128), jnp.int32),
            pltpu.VMEM((_BPW, E), jnp.float32),
            pltpu.VMEM((_BPW // F, 512), jnp.float32),
            pltpu.VMEM((_CH, 128), jnp.float32),
            pltpu.SemaphoreType.DMA,
            pltpu.SemaphoreType.DMA,
        ],
        compiler_params=pltpu.CompilerParams(use_tc_tiling_on_sc=False),
    )
    def _sc_gather(emb_hbm, lin_hbm, idx_hbm, e_out, lin_out,
                   idx_v, rows_v, rows2_v, lin_v, sem_e, sem_l):
        wid = lax.axis_index("s") * _NC + lax.axis_index("c")
        pltpu.sync_copy(idx_hbm.at[pl.ds(wid * _CH, _CH)], idx_v)

        def fire(j, _):
            pltpu.async_copy(
                emb_hbm.at[idx_v.at[j]], rows_v.at[pl.ds(j * 128, 128)], sem_e)
            pltpu.async_copy(lin_hbm.at[idx_v.at[j]], lin_v.at[j], sem_l)
            return 0

        lax.fori_loop(0, _CH, fire, 0)

        def drain(j, _):
            pltpu.make_async_copy(
                emb_hbm.at[idx_v.at[j]], rows_v.at[pl.ds(j * 128, 128)],
                sem_e).wait()
            pltpu.make_async_copy(
                lin_hbm.at[idx_v.at[j]], lin_v.at[j], sem_l).wait()
            return 0

        lax.fori_loop(0, _CH, drain, 0)

        zeros16 = jnp.zeros((E,), jnp.float32)

        def shuf(b, _):
            for c in range(F):
                rows2_v[b, pl.ds(c * E, E)] = rows_v[b * F + c, :]
            for c in range(F, 512 // E):
                rows2_v[b, pl.ds(c * E, E)] = zeros16
            return 0

        lax.fori_loop(0, _BPW // F, shuf, 0)
        pltpu.sync_copy(
            rows2_v, e_out.at[pl.ds(wid * (_BPW // F), _BPW // F)])
        pltpu.sync_copy(lin_v, lin_out.at[pl.ds(wid * _CH, _CH)])

    return _sc_gather


def _tc_body(e_ref, ling_ref, dense_ref, wdt_ref, bd_ref, w1et_ref, w1dt_ref,
             b1_ref, g1_ref, be1_ref, w2t_ref, b2_ref, g2_ref, be2_ref,
             wot_ref, bo_ref, out_ref):
    e = e_ref[...]
    dense = dense_ref[...]

    lin = (jnp.sum(ling_ref[...], axis=1, keepdims=True)
           + dense @ wdt_ref[...] + bd_ref[...])

    i1 = lax.broadcasted_iota(jnp.int32, (512, E), 0)
    i2 = lax.broadcasted_iota(jnp.int32, (512, E), 1)
    smat = jnp.where(i1 % E == i2, 1.0, 0.0)
    s = jax.lax.dot(e, smat, preferred_element_type=jnp.float32)
    sq = jax.lax.dot(e * e, smat, preferred_element_type=jnp.float32)
    fm = 0.5 * jnp.sum(s * s - sq, axis=1, keepdims=True)

    def bn(h, g, b, eps=1e-5):
        m = jnp.mean(h, axis=0, keepdims=True)
        v = jnp.mean(h * h, axis=0, keepdims=True) - m * m
        return (h - m) * jax.lax.rsqrt(v + eps) * g + b

    h1 = e @ w1et_ref[...] + dense @ w1dt_ref[...] + b1_ref[...]
    h1 = jnp.maximum(bn(h1, g1_ref[...], be1_ref[...]), 0.0)
    h2 = h1 @ w2t_ref[...] + b2_ref[...]
    h2 = jnp.maximum(bn(h2, g2_ref[...], be2_ref[...]), 0.0)
    logit = h2 @ wot_ref[...] + bo_ref[...] + lin + fm
    out_ref[...] = jax.nn.sigmoid(logit)


def kernel(sparse_inputs, dense_inputs, emb, lin_emb, Wd, bd, W1, b1, g1,
           be1, W2, b2, g2, be2, Wo, bo):
    idx2d = sparse_inputs.reshape(-1).astype(jnp.int32).reshape(BF // 128, 128)
    e_out, lin_out = _sc_gather_fn()(emb, lin_emb.reshape(V), idx2d)

    out = pl.pallas_call(
        _tc_body,
        out_shape=jax.ShapeDtypeStruct((B, 1), jnp.float32),
    )(
        e_out,
        lin_out.reshape(B, F),
        dense_inputs,
        Wd.T,
        bd.reshape(1, 1),
        jnp.pad(W1[:, :FE].T, ((0, 512 - FE), (0, 0))),
        W1[:, FE:].T,
        b1.reshape(1, H1),
        g1.reshape(1, H1),
        be1.reshape(1, H1),
        W2.T,
        b2.reshape(1, H2),
        g2.reshape(1, H2),
        be2.reshape(1, H2),
        Wo.T,
        bo.reshape(1, 1),
    )
    return out

# --- scband reference (transcript-rebuilt; emitter-appended) ---
"""Pipeline reference for scband-deep-fm-5720896438844 (READ-ONLY COPY).

The authoritative reference and input builder live on the scoring server;
editing this copy changes nothing except your own understanding.
"""

import jax, jax.numpy as jnp
import numpy as np

V = 1000000; F = 26; D = 13; E = 16; H1 = 64; H2 = 32; B = 4096

def _bn(h, g, b, eps=1e-5):
    m = jnp.mean(h, axis=0)
    v = jnp.var(h, axis=0)
    return (h - m) / jnp.sqrt(v + eps) * g + b

def setup_inputs(seed: int = 0):
    key = jax.random.key(seed)
    ks = [jax.random.fold_in(key, i) for i in range(10)]
    sparse_inputs = jax.random.randint(ks[0], (B, F), 0, V)
    dense_inputs = jax.random.normal(ks[1], (B, D), dtype=jnp.float32)
    emb = jax.random.normal(ks[2], (V, E), dtype=jnp.float32) * 0.01
    lin_emb = jax.random.normal(ks[3], (V, 1), dtype=jnp.float32) * 0.01
    Wd = jax.random.normal(ks[4], (1, D), dtype=jnp.float32) * 0.1
    bd = jnp.zeros((1,), dtype=jnp.float32)
    W1 = jax.random.normal(ks[5], (H1, F * E + D), dtype=jnp.float32) * 0.05
    b1 = jnp.zeros((H1,), dtype=jnp.float32)
    g1 = jnp.ones((H1,), dtype=jnp.float32)
    be1 = jnp.zeros((H1,), dtype=jnp.float32)
    W2 = jax.random.normal(ks[6], (H2, H1), dtype=jnp.float32) * 0.05
    b2 = jnp.zeros((H2,), dtype=jnp.float32)
    g2 = jnp.ones((H2,), dtype=jnp.float32)
    be2 = jnp.zeros((H2,), dtype=jnp.float32)
    Wo = jax.random.normal(ks[7], (1, H2), dtype=jnp.float32) * 0.05
    bo = jnp.zeros((1,), dtype=jnp.float32)
    return {"sparse_inputs": sparse_inputs, "dense_inputs": dense_inputs, "emb": emb, "lin_emb": lin_emb, "Wd": Wd, "bd": bd, "W1": W1, "b1": b1, "g1": g1, "be1": be1, "W2": W2, "b2": b2, "g2": g2, "be2": be2, "Wo": Wo, "bo": bo}

def reference(sparse_inputs, dense_inputs, emb, lin_emb, Wd, bd, W1, b1, g1, be1, W2, b2, g2, be2, Wo, bo):
    # linear (1st order) part: gather [B, F, 1] -> sum over fields + dense linear
    linear_part = jnp.sum(lin_emb[sparse_inputs], axis=1) + dense_inputs @ Wd.T + bd
    # embedding gather [B, F, E]
    e = emb[sparse_inputs]
    # FM 2nd order: 0.5 * sum((sum e)^2 - sum(e^2))
    s = jnp.sum(e, axis=1)
    fm_2nd = 0.5 * jnp.sum(s * s - jnp.sum(e * e, axis=1), axis=1, keepdims=True)
    # DNN input: flattened embeddings + dense features
    x = jnp.concatenate([e.reshape(e.shape[0], -1), dense_inputs], axis=1)
    h = jax.nn.relu(_bn(x @ W1.T + b1, g1, be1))
    h = jax.nn.relu(_bn(h @ W2.T + b2, g2, be2))
    dnn_logit = h @ Wo.T + bo
    total_logit = linear_part + fm_2nd + dnn_logit
    return jax.nn.sigmoid(total_logit)

if __name__ == "__main__":
    import jax
    _d = setup_inputs()
    print(jax.jit(kernel)(*tuple(_d.values())))

</pallas_src>

<mosaic_0001>
#map = affine_map<(d0, d1) -> (0, 0)>
#map1 = affine_map<(d0, d1) -> (0)>
module attributes {stable_mosaic.version = 14 : i64} {
  func.func @_sc_gather(%arg0: i32, %arg1: i32, %arg2: memref<1000000x16xf32, #tpu.memory_space<hbm>>, %arg3: memref<1000000xf32, #tpu.memory_space<hbm>>, %arg4: memref<832x128xi32, #tpu.memory_space<hbm>>, %arg5: memref<4096x512xf32, #tpu.memory_space<hbm>>, %arg6: memref<832x128xf32, #tpu.memory_space<hbm>>, %arg7: memref<26x128xi32, #tpu.memory_space<vmem>>, %arg8: memref<3328x16xf32, #tpu.memory_space<vmem>>, %arg9: memref<128x512xf32, #tpu.memory_space<vmem>>, %arg10: memref<26x128xf32, #tpu.memory_space<vmem>>, %arg11: memref<!tpu.dma_semaphore, #tpu.memory_space<semaphore_mem>>, %arg12: memref<!tpu.dma_semaphore, #tpu.memory_space<semaphore_mem>>) attributes {dimension_semantics = [#tpu.dimension_semantics<core_parallel>, #tpu.dimension_semantics<subcore_parallel>], iteration_bounds = array<i64: 2, 16>, scalar_prefetch = 0 : i64, scratch_operands = 6 : i64, tpu.core_type = #tpu.core_type<sc_vector_subcore>, window_params = [{transform_indices = #map}, {transform_indices = #map1}, {transform_indices = #map}, {transform_indices = #map}, {transform_indices = #map}]} {
    %mul3A = arith.constant 2 : i32
    %mul3A_0 = arith.muli %arg1, %mul3A : i32
    %add3A = arith.addi %mul3A_0, %arg0 : i32
    %mul3A_1 = arith.constant 26 : i32
    %mul3A_2 = arith.muli %add3A, %mul3A_1 : i32
    "tpu.region"() ({
      %run_scoped3A = tpu.sem_alloc : memref<!tpu.dma_semaphore, #tpu.memory_space<semaphore_mem>>
      %dma_start3A = arith.constant 0 : i32
      %dma_start3A_28 = tpu.memref_slice %arg4[%mul3A_2, %dma_start3A] : memref<832x128xi32, #tpu.memory_space<hbm>> -> memref<26x128xi32, #tpu.memory_space<hbm>>
      %dma_start3A_29 = arith.constant 0 : i32
      %dma_start3A_30 = tpu.memref_slice %arg4[%mul3A_2, %dma_start3A_29] : memref<832x128xi32, #tpu.memory_space<hbm>> -> memref<26x128xi32, #tpu.memory_space<hbm>>
      tpu.enqueue_dma source(%dma_start3A_30 : memref<26x128xi32, #tpu.memory_space<hbm>>) target(%arg7 : memref<26x128xi32, #tpu.memory_space<vmem>>) target_semaphore(%run_scoped3A : memref<!tpu.dma_semaphore, #tpu.memory_space<semaphore_mem>>)
      %dma_wait3A = arith.constant 0 : i32
      %dma_wait3A_31 = tpu.memref_slice %arg4[%mul3A_2, %dma_wait3A] : memref<832x128xi32, #tpu.memory_space<hbm>> -> memref<26x128xi32, #tpu.memory_space<hbm>>
      %dma_wait3A_32 = arith.constant 0 : i32
      %dma_wait3A_33 = tpu.memref_slice %arg4[%mul3A_2, %dma_wait3A_32] : memref<832x128xi32, #tpu.memory_space<hbm>> -> memref<26x128xi32, #tpu.memory_space<hbm>>
      tpu.wait_dma2 semaphore(%run_scoped3A : memref<!tpu.dma_semaphore, #tpu.memory_space<semaphore_mem>>) src(%dma_wait3A_33 : memref<26x128xi32, #tpu.memory_space<hbm>>) dst(%arg7 : memref<26x128xi32, #tpu.memory_space<vmem>>)
      tpu.yield
    }) : () -> ()
    %scan3A = arith.constant 0 : i32
    %scan3A_3 = arith.constant 0 : i32
    %scan3A_4 = arith.constant 26 : i32
    %scan3A_5 = arith.addi %scan3A_3, %scan3A_4 : i32
    %scan3A_6 = arith.constant 1 : i32
    %scan3A_7 = scf.for %scan3A_28 = %scan3A_3 to %scan3A_5 step %scan3A_6 iter_args(%scan3A_29 = %scan3A) -> (i32)  : i32 {
      %mul3A_30 = arith.constant 128 : i32
      %mul3A_31 = arith.muli %scan3A_28, %mul3A_30 : i32
      %dma_start3A = arith.constant 0 : i32
      %dma_start3A_32 = tpu.memref_slice %arg8[%mul3A_31, %dma_start3A] : memref<3328x16xf32, #tpu.memory_space<vmem>> -> memref<128x16xf32, #tpu.memory_space<vmem>>
      %dma_start3A_33 = arith.constant 0 : i32
      %dma_start3A_34 = tpu.memref_slice %arg7[%scan3A_28, %dma_start3A_33] : memref<26x128xi32, #tpu.memory_space<vmem>> -> memref<1x128xi32, #tpu.memory_space<vmem>>
      %dma_start3A_35 = tpu.memref_squeeze %dma_start3A_34 : memref<1x128xi32, #tpu.memory_space<vmem>> -> memref<128xi32, #tpu.memory_space<vmem>>
      %dma_start3A_36 = arith.constant 0 : i32
      %dma_start3A_37 = arith.constant 0 : i32
      %dma_start3A_38 = tpu.memref_slice %arg2[%dma_start3A_36, %dma_start3A_37] : memref<1000000x16xf32, #tpu.memory_space<hbm>> -> memref<1000000x16xf32, #tpu.memory_space<hbm>>
      tpu.enqueue_indirect_dma source(%dma_start3A_38 : memref<1000000x16xf32, #tpu.memory_space<hbm>>) target(%dma_start3A_32 : memref<128x16xf32, #tpu.memory_space<vmem>>) offsets(%dma_start3A_35 : memref<128xi32, #tpu.memory_space<vmem>>) semaphore(%arg11 : memref<!tpu.dma_semaphore, #tpu.memory_space<semaphore_mem>>)
      %dma_start3A_39 = arith.constant 0 : i32
      %dma_start3A_40 = tpu.memref_slice %arg10[%scan3A_28, %dma_start3A_39] : memref<26x128xf32, #tpu.memory_space<vmem>> -> memref<1x128xf32, #tpu.memory_space<vmem>>
      %dma_start3A_41 = tpu.memref_squeeze %dma_start3A_40 : memref<1x128xf32, #tpu.memory_space<vmem>> -> memref<128xf32, #tpu.memory_space<vmem>>
      %dma_start3A_42 = arith.constant 0 : i32
      %dma_start3A_43 = tpu.memref_slice %arg7[%scan3A_28, %dma_start3A_42] : memref<26x128xi32, #tpu.memory_space<vmem>> -> memref<1x128xi32, #tpu.memory_space<vmem>>
      %dma_start3A_44 = tpu.memref_squeeze %dma_start3A_43 : memref<1x128xi32, #tpu.memory_space<vmem>> -> memref<128xi32, #tpu.memory_space<vmem>>
      %dma_start3A_45 = arith.constant 0 : i32
      %dma_start3A_46 = tpu.memref_slice %arg3[%dma_start3A_45] : memref<1000000xf32, #tpu.memory_space<hbm>> -> memref<1000000xf32, #tpu.memory_space<hbm>>
      tpu.enqueue_indirect_dma source(%dma_start3A_46 : memref<1000000xf32, #tpu.memory_space<hbm>>) target(%dma_start3A_41 : memref<128xf32, #tpu.memory_space<vmem>>) offsets(%dma_start3A_44 : memref<128xi32, #tpu.memory_space<vmem>>) semaphore(%arg12 : memref<!tpu.dma_semaphore, #tpu.memory_space<semaphore_mem>>)
      %scan3A_47 = arith.constant 0 : i32
      scf.yield %scan3A_47 : i32
    }
    %scan3A_8 = arith.constant 26 : i32
    %scan3A_9 = arith.constant 0 : i32
    %scan3A_10 = arith.constant 0 : i32
    %scan3A_11 = arith.constant 26 : i32
    %scan3A_12 = arith.addi %scan3A_10, %scan3A_11 : i32
    %scan3A_13 = arith.constant 1 : i32
    %scan3A_14 = scf.for %scan3A_28 = %scan3A_10 to %scan3A_12 step %scan3A_13 iter_args(%scan3A_29 = %scan3A_9) -> (i32)  : i32 {
      %mul3A_30 = arith.constant 128 : i32
      %mul3A_31 = arith.muli %scan3A_28, %mul3A_30 : i32
      %dma_wait3A = arith.constant 0 : i32
      %dma_wait3A_32 = tpu.memref_slice %arg8[%mul3A_31, %dma_wait3A] : memref<3328x16xf32, #tpu.memory_space<vmem>> -> memref<128x16xf32, #tpu.memory_space<vmem>>
      %dma_wait3A_33 = arith.constant 0 : i32
      %dma_wait3A_34 = tpu.memref_slice %arg7[%scan3A_28, %dma_wait3A_33] : memref<26x128xi32, #tpu.memory_space<vmem>> -> memref<1x128xi32, #tpu.memory_space<vmem>>
      %dma_wait3A_35 = tpu.memref_squeeze %dma_wait3A_34 : memref<1x128xi32, #tpu.memory_space<vmem>> -> memref<128xi32, #tpu.memory_space<vmem>>
      %dma_wait3A_36 = arith.constant 0 : i32
      %dma_wait3A_37 = arith.constant 0 : i32
      %dma_wait3A_38 = tpu.memref_slice %arg2[%dma_wait3A_36, %dma_wait3A_37] : memref<1000000x16xf32, #tpu.memory_space<hbm>> -> memref<1000000x16xf32, #tpu.memory_space<hbm>>
      tpu.wait_indirect_dma semaphore(%arg11 : memref<!tpu.dma_semaphore, #tpu.memory_space<semaphore_mem>>) src(%dma_wait3A_38 : memref<1000000x16xf32, #tpu.memory_space<hbm>>) dst(%dma_wait3A_32 : memref<128x16xf32, #tpu.memory_space<vmem>>)
      %dma_wait3A_39 = arith.constant 0 : i32
      %dma_wait3A_40 = tpu.memref_slice %arg10[%scan3A_28, %dma_wait3A_39] : memref<26x128xf32, #tpu.memory_space<vmem>> -> memref<1x128xf32, #tpu.memory_space<vmem>>
      %dma_wait3A_41 = tpu.memref_squeeze %dma_wait3A_40 : memref<1x128xf32, #tpu.memory_space<vmem>> -> memref<128xf32, #tpu.memory_space<vmem>>
      %dma_wait3A_42 = arith.constant 0 : i32
      %dma_wait3A_43 = tpu.memref_slice %arg7[%scan3A_28, %dma_wait3A_42] : memref<26x128xi32, #tpu.memory_space<vmem>> -> memref<1x128xi32, #tpu.memory_space<vmem>>
      %dma_wait3A_44 = tpu.memref_squeeze %dma_wait3A_43 : memref<1x128xi32, #tpu.memory_space<vmem>> -> memref<128xi32, #tpu.memory_space<vmem>>
      %dma_wait3A_45 = arith.constant 0 : i32
      %dma_wait3A_46 = tpu.memref_slice %arg3[%dma_wait3A_45] : memref<1000000xf32, #tpu.memory_space<hbm>> -> memref<1000000xf32, #tpu.memory_space<hbm>>
      tpu.wait_indirect_dma semaphore(%arg12 : memref<!tpu.dma_semaphore, #tpu.memory_space<semaphore_mem>>) src(%dma_wait3A_46 : memref<1000000xf32, #tpu.memory_space<hbm>>) dst(%dma_wait3A_41 : memref<128xf32, #tpu.memory_space<vmem>>)
      %scan3A_47 = arith.constant 0 : i32
      scf.yield %scan3A_47 : i32
    }
    %scan3A_15 = arith.constant 26 : i32
    %broadcast_in_dim3A = arith.constant 0.000000e+00 : f32
    %broadcast_in_dim3A_16 = vector.broadcast %broadcast_in_dim3A : f32 to vector<16xf32>
    %scan3A_17 = arith.constant 0 : i32
    %scan3A_18 = arith.constant 0 : i32
    %scan3A_19 = arith.constant 128 : i32
    %scan3A_20 = arith.addi %scan3A_18, %scan3A_19 : i32
    %scan3A_21 = arith.constant 1 : i32
    %scan3A_22 = scf.for %scan3A_28 = %scan3A_18 to %scan3A_20 step %scan3A_21 iter_args(%scan3A_29 = %scan3A_17) -> (i32)  : i32 {
      %mul3A_30 = arith.constant 26 : i32
      %mul3A_31 = arith.muli %scan3A_28, %mul3A_30 : i32
      %add3A_32 = arith.constant 0 : i32
      %add3A_33 = arith.addi %mul3A_31, %add3A_32 : i32
      %get3A = arith.index_cast %add3A_33 : i32 to index
      %get3A_34 = arith.constant 0 : index
      %get3A_35 = tpu.vector_load %arg8[%get3A, %get3A_34] {strides = array<i32>} : memref<3328x16xf32, #tpu.memory_space<vmem>>, vector<1x16xf32>,
      %get3A_36 = vector.shape_cast %get3A_35 : vector<1x16xf32> to vector<16xf32>
      %swap3A = arith.index_cast %scan3A_28 : i32 to index
      %swap3A_37 = arith.constant 0 : index
      %swap3A_38 = tpu.vector_load %arg9[%swap3A, %swap3A_37] {strides = array<i32>} : memref<128x512xf32, #tpu.memory_space<vmem>>, vector<1x16xf32>,
      %swap3A_39 = vector.shape_cast %swap3A_38 : vector<1x16xf32> to vector<16xf32>
      %swap3A_40 = vector.shape_cast %get3A_36 : vector<16xf32> to vector<1x16xf32>
      tpu.vector_store %arg9[%swap3A, %swap3A_37], %swap3A_40 {strides = array<i32>} : memref<128x512xf32, #tpu.memory_space<vmem>>, vector<1x16xf32>,
      %mul3A_41 = arith.constant 26 : i32
      %mul3A_42 = arith.muli %scan3A_28, %mul3A_41 : i32
      %add3A_43 = arith.constant 1 : i32
      %add3A_44 = arith.addi %mul3A_42, %add3A_43 : i32
      %get3A_45 = arith.index_cast %add3A_44 : i32 to index
      %get3A_46 = arith.constant 0 : index
      %get3A_47 = tpu.vector_load %arg8[%get3A_45, %get3A_46] {strides = array<i32>} : memref<3328x16xf32, #tpu.memory_space<vmem>>, vector<1x16xf32>,
      %get3A_48 = vector.shape_cast %get3A_47 : vector<1x16xf32> to vector<16xf32>
      %swap3A_49 = arith.index_cast %scan3A_28 : i32 to index
      %swap3A_50 = arith.constant 16 : index
      %swap3A_51 = tpu.vector_load %arg9[%swap3A_49, %swap3A_50] {strides = array<i32>} : memref<128x512xf32, #tpu.memory_space<vmem>>, vector<1x16xf32>,
      %swap3A_52 = vector.shape_cast %swap3A_51 : vector<1x16xf32> to vector<16xf32>
      %swap3A_53 = vector.shape_cast %get3A_48 : vector<16xf32> to vector<1x16xf32>
      tpu.vector_store %arg9[%swap3A_49, %swap3A_50], %swap3A_53 {strides = array<i32>} : memref<128x512xf32, #tpu.memory_space<vmem>>, vector<1x16xf32>,
      %mul3A_54 = arith.constant 26 : i32
      %mul3A_55 = arith.muli %scan3A_28, %mul3A_54 : i32
      %add3A_56 = arith.constant 2 : i32
      %add3A_57 = arith.addi %mul3A_55, %add3A_56 : i32
      %get3A_58 = arith.index_cast %add3A_57 : i32 to index
      %get3A_59 = arith.constant 0 : index
      %get3A_60 = tpu.vector_load %arg8[%get3A_58, %get3A_59] {strides = array<i32>} : memref<3328x16xf32, #tpu.memory_space<vmem>>, vector<1x16xf32>,
      %get3A_61 = vector.shape_cast %get3A_60 : vector<1x16xf32> to vector<16xf32>
      %swap3A_62 = arith.index_cast %scan3A_28 : i32 to index
      %swap3A_63 = arith.constant 32 : index
      %swap3A_64 = tpu.vector_load %arg9[%swap3A_62, %swap3A_63] {strides = array<i32>} : memref<128x512xf32, #tpu.memory_space<vmem>>, vector<1x16xf32>,
      %swap3A_65 = vector.shape_cast %swap3A_64 : vector<1x16xf32> to vector<16xf32>
      %swap3A_66 = vector.shape_cast %get3A_61 : vector<16xf32> to vector<1x16xf32>
      tpu.vector_store %arg9[%swap3A_62, %swap3A_63], %swap3A_66 {strides = array<i32>} : memref<128x512xf32, #tpu.memory_space<vmem>>, vector<1x16xf32>,
      %mul3A_67 = arith.constant 26 : i32
      %mul3A_68 = arith.muli %scan3A_28, %mul3A_67 : i32
      %add3A_69 = arith.constant 3 : i32
      %add3A_70 = arith.addi %mul3A_68, %add3A_69 : i32
      %get3A_71 = arith.index_cast %add3A_70 : i32 to index
      %get3A_72 = arith.constant 0 : index
      %get3A_73 = tpu.vector_load %arg8[%get3A_71, %get3A_72] {strides = array<i32>} : memref<3328x16xf32, #tpu.memory_space<vmem>>, vector<1x16xf32>,
      %get3A_74 = vector.shape_cast %get3A_73 : vector<1x16xf32> to vector<16xf32>
      %swap3A_75 = arith.index_cast %scan3A_28 : i32 to index
      %swap3A_76 = arith.constant 48 : index
      %swap3A_77 = tpu.vector_load %arg9[%swap3A_75, %swap3A_76] {strides = array<i32>} : memref<128x512xf32, #tpu.memory_space<vmem>>, vector<1x16xf32>,
      %swap3A_78 = vector.shape_cast %swap3A_77 : vector<1x16xf32> to vector<16xf32>
      %swap3A_79 = vector.shape_cast %get3A_74 : vector<16xf32> to vector<1x16xf32>
      tpu.vector_store %arg9[%swap3A_75, %swap3A_76], %swap3A_79 {strides = array<i32>} : memref<128x512xf32, #tpu.memory_space<vmem>>, vector<1x16xf32>,
      %mul3A_80 = arith.constant 26 : i32
      %mul3A_81 = arith.muli %scan3A_28, %mul3A_80 : i32
      %add3A_82 = arith.constant 4 : i32
      %add3A_83 = arith.addi %mul3A_81, %add3A_82 : i32
      %get3A_84 = arith.index_cast %add3A_83 : i32 to index
      %get3A_85 = arith.constant 0 : index
      %get3A_86 = tpu.vector_load %arg8[%get3A_84, %get3A_85] {strides = array<i32>} : memref<3328x16xf32, #tpu.memory_space<vmem>>, vector<1x16xf32>,
      %get3A_87 = vector.shape_cast %get3A_86 : vector<1x16xf32> to vector<16xf32>
      %swap3A_88 = arith.index_cast %scan3A_28 : i32 to index
      %swap3A_89 = arith.constant 64 : index
      %swap3A_90 = tpu.vector_load %arg9[%swap3A_88, %swap3A_89] {strides = array<i32>} : memref<128x512xf32, #tpu.memory_space<vmem>>, vector<1x16xf32>,
      %swap3A_91 = vector.shape_cast %swap3A_90 : vector<1x16xf32> to vector<16xf32>
      %swap3A_92 = vector.shape_cast %get3A_87 : vector<16xf32> to vector<1x16xf32>
      tpu.vector_store %arg9[%swap3A_88, %swap3A_89], %swap3A_92 {strides = array<i32>} : memref<128x512xf32, #tpu.memory_space<vmem>>, vector<1x16xf32>,
      %mul3A_93 = arith.constant 26 : i32
      %mul3A_94 = arith.muli %scan3A_28, %mul3A_93 : i32
      %add3A_95 = arith.constant 5 : i32
      %add3A_96 = arith.addi %mul3A_94, %add3A_95 : i32
      %get3A_97 = arith.index_cast %add3A_96 : i32 to index
      %get3A_98 = arith.constant 0 : index
      %get3A_99 = tpu.vector_load %arg8[%get3A_97, %get3A_98] {strides = array<i32>} : memref<3328x16xf32, #tpu.memory_space<vmem>>, vector<1x16xf32>,
      %get3A_100 = vector.shape_cast %get3A_99 : vector<1x16xf32> to vector<16xf32>
      %swap3A_101 = arith.index_cast %scan3A_28 : i32 to index
      %swap3A_102 = arith.constant 80 : index
      %swap3A_103 = tpu.vector_load %arg9[%swap3A_101, %swap3A_102] {strides = array<i32>} : memref<128x512xf32, #tpu.memory_space<vmem>>, vector<1x16xf32>,
      %swap3A_104 = vector.shape_cast %swap3A_103 : vector<1x16xf32> to vector<16xf32>
      %swap3A_105 = vector.shape_cast %get3A_100 : vector<16xf32> to vector<1x16xf32>
      tpu.vector_store %arg9[%swap3A_101, %swap3A_102], %swap3A_105 {strides = array<i32>} : memref<128x512xf32, #tpu.memory_space<vmem>>, vector<1x16xf32>,
      %mul3A_106 = arith.constant 26 : i32
      %mul3A_107 = arith.muli %scan3A_28, %mul3A_106 : i32
      %add3A_108 = arith.constant 6 : i32
      %add3A_109 = arith.addi %mul3A_107, %add3A_108 : i32
      %get3A_110 = arith.index_cast %add3A_109 : i32 to index
      %get3A_111 = arith.constant 0 : index
      %get3A_112 = tpu.vector_load %arg8[%get3A_110, %get3A_111] {strides = array<i32>} : memref<3328x16xf32, #tpu.memory_space<vmem>>, vector<1x16xf32>,
      %get3A_113 = vector.shape_cast %get3A_112 : vector<1x16xf32> to vector<16xf32>
      %swap3A_114 = arith.index_cast %scan3A_28 : i32 to index
      %swap3A_115 = arith.constant 96 : index
      %swap3A_116 = tpu.vector_load %arg9[%swap3A_114, %swap3A_115] {strides = array<i32>} : memref<128x512xf32, #tpu.memory_space<vmem>>, vector<1x16xf32>,
      %swap3A_117 = vector.shape_cast %swap3A_116 : vector<1x16xf32> to vector<16xf32>
      %swap3A_118 = vector.shape_cast %get3A_113 : vector<16xf32> to vector<1x16xf32>
      tpu.vector_store %arg9[%swap3A_114, %swap3A_115], %swap3A_118 {strides = array<i32>} : memref<128x512xf32, #tpu.memory_space<vmem>>, vector<1x16xf32>,
      %mul3A_119 = arith.constant 26 : i32
      %mul3A_120 = arith.muli %scan3A_28, %mul3A_119 : i32
      %add3A_121 = arith.constant 7 : i32
      %add3A_122 = arith.addi %mul3A_120, %add3A_121 : i32
      %get3A_123 = arith.index_cast %add3A_122 : i32 to index
      %get3A_124 = arith.constant 0 : index
      %get3A_125 = tpu.vector_load %arg8[%get3A_123, %get3A_124] {strides = array<i32>} : memref<3328x16xf32, #tpu.memory_space<vmem>>, vector<1x16xf32>,
      %get3A_126 = vector.shape_cast %get3A_125 : vector<1x16xf32> to vector<16xf32>
      %swap3A_127 = arith.index_cast %scan3A_28 : i32 to index
      %swap3A_128 = arith.constant 112 : index
      %swap3A_129 = tpu.vector_load %arg9[%swap3A_127, %swap3A_128] {strides = array<i32>} : memref<128x512xf32, #tpu.memory_space<vmem>>, vector<1x16xf32>,
      %swap3A_130 = vector.shape_cast %swap3A_129 : vector<1x16xf32> to vector<16xf32>
      %swap3A_131 = vector.shape_cast %get3A_126 : vector<16xf32> to vector<1x16xf32>
      tpu.vector_store %arg9[%swap3A_127, %swap3A_128], %swap3A_131 {strides = array<i32>} : memref<128x512xf32, #tpu.memory_space<vmem>>, vector<1x16xf32>,
      %mul3A_132 = arith.constant 26 : i32
      %mul3A_133 = arith.muli %scan3A_28, %mul3A_132 : i32
      %add3A_134 = arith.constant 8 : i32
      %add3A_135 = arith.addi %mul3A_133, %add3A_134 : i32
      %get3A_136 = arith.index_cast %add3A_135 : i32 to index
      %get3A_137 = arith.constant 0 : index
      %get3A_138 = tpu.vector_load %arg8[%get3A_136, %get3A_137] {strides = array<i32>} : memref<3328x16xf32, #tpu.memory_space<vmem>>, vector<1x16xf32>,
      %get3A_139 = vector.shape_cast %get3A_138 : vector<1x16xf32> to vector<16xf32>
      %swap3A_140 = arith.index_cast %scan3A_28 : i32 to index
      %swap3A_141 = arith.constant 128 : index
      %swap3A_142 = tpu.vector_load %arg9[%swap3A_140, %swap3A_141] {strides = array<i32>} : memref<128x512xf32, #tpu.memory_space<vmem>>, vector<1x16xf32>,
      %swap3A_143 = vector.shape_cast %swap3A_142 : vector<1x16xf32> to vector<16xf32>
      %swap3A_144 = vector.shape_cast %get3A_139 : vector<16xf32> to vector<1x16xf32>
      tpu.vector_store %arg9[%swap3A_140, %swap3A_141], %swap3A_144 {strides = array<i32>} : memref<128x512xf32, #tpu.memory_space<vmem>>, vector<1x16xf32>,
      %mul3A_145 = arith.constant 26 : i32
      %mul3A_146 = arith.muli %scan3A_28, %mul3A_145 : i32
      %add3A_147 = arith.constant 9 : i32
      %add3A_148 = arith.addi %mul3A_146, %add3A_147 : i32
      %get3A_149 = arith.index_cast %add3A_148 : i32 to index
      %get3A_150 = arith.constant 0 : index
      %get3A_151 = tpu.vector_load %arg8[%get3A_149, %get3A_150] {strides = array<i32>} : memref<3328x16xf32, #tpu.memory_space<vmem>>, vector<1x16xf32>,
      %get3A_152 = vector.shape_cast %get3A_151 : vector<1x16xf32> to vector<16xf32>
      %swap3A_153 = arith.index_cast %scan3A_28 : i32 to index
      %swap3A_154 = arith.constant 144 : index
      %swap3A_155 = tpu.vector_load %arg9[%swap3A_153, %swap3A_154] {strides = array<i32>} : memref<128x512xf32, #tpu.memory_space<vmem>>, vector<1x16xf32>,
      %swap3A_156 = vector.shape_cast %swap3A_155 : vector<1x16xf32> to vector<16xf32>
      %swap3A_157 = vector.shape_cast %get3A_152 : vector<16xf32> to vector<1x16xf32>
      tpu.vector_store %arg9[%swap3A_153, %swap3A_154], %swap3A_157 {strides = array<i32>} : memref<128x512xf32, #tpu.memory_space<vmem>>, vector<1x16xf32>,
      %mul3A_158 = arith.constant 26 : i32
      %mul3A_159 = arith.muli %scan3A_28, %mul3A_158 : i32
      %add3A_160 = arith.constant 10 : i32
      %add3A_161 = arith.addi %mul3A_159, %add3A_160 : i32
      %get3A_162 = arith.index_cast %add3A_161 : i32 to index
      %get3A_163 = arith.constant 0 : index
      %get3A_164 = tpu.vector_load %arg8[%get3A_162, %get3A_163] {strides = array<i32>} : memref<3328x16xf32, #tpu.memory_space<vmem>>, vector<1x16xf32>,
      %get3A_165 = vector.shape_cast %get3A_164 : vector<1x16xf32> to vector<16xf32>
      %swap3A_166 = arith.index_cast %scan3A_28 : i32 to index
      %swap3A_167 = arith.constant 160 : index
      %swap3A_168 = tpu.vector_load %arg9[%swap3A_166, %swap3A_167] {strides = array<i32>} : memref<128x512xf32, #tpu.memory_space<vmem>>, vector<1x16xf32>,
      %swap3A_169 = vector.shape_cast %swap3A_168 : vector<1x16xf32> to vector<16xf32>
      %swap3A_170 = vector.shape_cast %get3A_165 : vector<16xf32> to vector<1x16xf32>
      tpu.vector_store %arg9[%swap3A_166, %swap3A_167], %swap3A_170 {strides = array<i32>} : memref<128x512xf32, #tpu.memory_space<vmem>>, vector<1x16xf32>,
      %mul3A_171 = arith.constant 26 : i32
      %mul3A_172 = arith.muli %scan3A_28, %mul3A_171 : i32
      %add3A_173 = arith.constant 11 : i32
      %add3A_174 = arith.addi %mul3A_172, %add3A_173 : i32
      %get3A_175 = arith.index_cast %add3A_174 : i32 to index
      %get3A_176 = arith.constant 0 : index
      %get3A_177 = tpu.vector_load %arg8[%get3A_175, %get3A_176] {strides = array<i32>} : memref<3328x16xf32, #tpu.memory_space<vmem>>, vector<1x16xf32>,
      %get3A_178 = vector.shape_cast %get3A_177 : vector<1x16xf32> to vector<16xf32>
      %swap3A_179 = arith.index_cast %scan3A_28 : i32 to index
      %swap3A_180 = arith.constant 176 : index
      %swap3A_181 = tpu.vector_load %arg9[%swap3A_179, %swap3A_180] {strides = array<i32>} : memref<128x512xf32, #tpu.memory_space<vmem>>, vector<1x16xf32>,
      %swap3A_182 = vector.shape_cast %swap3A_181 : vector<1x16xf32> to vector<16xf32>
      %swap3A_183 = vector.shape_cast %get3A_178 : vector<16xf32> to vector<1x16xf32>
      tpu.vector_store %arg9[%swap3A_179, %swap3A_180], %swap3A_183 {strides = array<i32>} : memref<128x512xf32, #tpu.memory_space<vmem>>, vector<1x16xf32>,
      %mul3A_184 = arith.constant 26 : i32
      %mul3A_185 = arith.muli %scan3A_28, %mul3A_184 : i32
      %add3A_186 = arith.constant 12 : i32
      %add3A_187 = arith.addi %mul3A_185, %add3A_186 : i32
      %get3A_188 = arith.index_cast %add3A_187 : i32 to index
      %get3A_189 = arith.constant 0 : index
      %get3A_190 = tpu.vector_load %arg8[%get3A_188, %get3A_189] {strides = array<i32>} : memref<3328x16xf32, #tpu.memory_space<vmem>>, vector<1x16xf32>,
      %get3A_191 = vector.shape_cast %get3A_190 : vector<1x16xf32> to vector<16xf32>
      %swap3A_192 = arith.index_cast %scan3A_28 : i32 to index
      %swap3A_193 = arith.constant 192 : index
      %swap3A_194 = tpu.vector_load %arg9[%swap3A_192, %swap3A_193] {strides = array<i32>} : memref<128x512xf32, #tpu.memory_space<vmem>>, vector<1x16xf32>,
      %swap3A_195 = vector.shape_cast %swap3A_194 : vector<1x16xf32> to vector<16xf32>
      %swap3A_196 = vector.shape_cast %get3A_191 : vector<16xf32> to vector<1x16xf32>
      tpu.vector_store %arg9[%swap3A_192, %swap3A_193], %swap3A_196 {strides = array<i32>} : memref<128x512xf32, #tpu.memory_space<vmem>>, vector<1x16xf32>,
      %mul3A_197 = arith.constant 26 : i32
      %mul3A_198 = arith.muli %scan3A_28, %mul3A_197 : i32
      %add3A_199 = arith.constant 13 : i32
      %add3A_200 = arith.addi %mul3A_198, %add3A_199 : i32
      %get3A_201 = arith.index_cast %add3A_200 : i32 to index
      %get3A_202 = arith.constant 0 : index
      %get3A_203 = tpu.vector_load %arg8[%get3A_201, %get3A_202] {strides = array<i32>} : memref<3328x16xf32, #tpu.memory_space<vmem>>, vector<1x16xf32>,
      %get3A_204 = vector.shape_cast %get3A_203 : vector<1x16xf32> to vector<16xf32>
      %swap3A_205 = arith.index_cast %scan3A_28 : i32 to index
      %swap3A_206 = arith.constant 208 : index
      %swap3A_207 = tpu.vector_load %arg9[%swap3A_205, %swap3A_206] {strides = array<i32>} : memref<128x512xf32, #tpu.memory_space<vmem>>, vector<1x16xf32>,
      %swap3A_208 = vector.shape_cast %swap3A_207 : vector<1x16xf32> to vector<16xf32>
      %swap3A_209 = vector.shape_cast %get3A_204 : vector<16xf32> to vector<1x16xf32>
      tpu.vector_store %arg9[%swap3A_205, %swap3A_206], %swap3A_209 {strides = array<i32>} : memref<128x512xf32, #tpu.memory_space<vmem>>, vector<1x16xf32>,
      %mul3A_210 = arith.constant 26 : i32
      %mul3A_211 = arith.muli %scan3A_28, %mul3A_210 : i32
      %add3A_212 = arith.constant 14 : i32
      %add3A_213 = arith.addi %mul3A_211, %add3A_212 : i32
      %get3A_214 = arith.index_cast %add3A_213 : i32 to index
      %get3A_215 = arith.constant 0 : index
      %get3A_216 = tpu.vector_load %arg8[%get3A_214, %get3A_215] {strides = array<i32>} : memref<3328x16xf32, #tpu.memory_space<vmem>>, vector<1x16xf32>,
      %get3A_217 = vector.shape_cast %get3A_216 : vector<1x16xf32> to vector<16xf32>
      %swap3A_218 = arith.index_cast %scan3A_28 : i32 to index
      %swap3A_219 = arith.constant 224 : index
      %swap3A_220 = tpu.vector_load %arg9[%swap3A_218, %swap3A_219] {strides = array<i32>} : memref<128x512xf32, #tpu.memory_space<vmem>>, vector<1x16xf32>,
      %swap3A_221 = vector.shape_cast %swap3A_220 : vector<1x16xf32> to vector<16xf32>
      %swap3A_222 = vector.shape_cast %get3A_217 : vector<16xf32> to vector<1x16xf32>
      tpu.vector_store %arg9[%swap3A_218, %swap3A_219], %swap3A_222 {strides = array<i32>} : memref<128x512xf32, #tpu.memory_space<vmem>>, vector<1x16xf32>,
      %mul3A_223 = arith.constant 26 : i32
      %mul3A_224 = arith.muli %scan3A_28, %mul3A_223 : i32
      %add3A_225 = arith.constant 15 : i32
      %add3A_226 = arith.addi %mul3A_224, %add3A_225 : i32
      %get3A_227 = arith.index_cast %add3A_226 : i32 to index
      %get3A_228 = arith.constant 0 : index
      %get3A_229 = tpu.vector_load %arg8[%get3A_227, %get3A_228] {strides = array<i32>} : memref<3328x16xf32, #tpu.memory_space<vmem>>, vector<1x16xf32>,
      %get3A_230 = vector.shape_cast %get3A_229 : vector<1x16xf32> to vector<16xf32>
      %swap3A_231 = arith.index_cast %scan3A_28 : i32 to index
      %swap3A_232 = arith.constant 240 : index
      %swap3A_233 = tpu.vector_load %arg9[%swap3A_231, %swap3A_232] {strides = array<i32>} : memref<128x512xf32, #tpu.memory_space<vmem>>, vector<1x16xf32>,
      %swap3A_234 = vector.shape_cast %swap3A_233 : vector<1x16xf32> to vector<16xf32>
      %swap3A_235 = vector.shape_cast %get3A_230 : vector<16xf32> to vector<1x16xf32>
      tpu.vector_store %arg9[%swap3A_231, %swap3A_232], %swap3A_235 {strides = array<i32>} : memref<128x512xf32, #tpu.memory_space<vmem>>, vector<1x16xf32>,
      %mul3A_236 = arith.constant 26 : i32
      %mul3A_237 = arith.muli %scan3A_28, %mul3A_236 : i32
      %add3A_238 = arith.constant 16 : i32
      %add3A_239 = arith.addi %mul3A_237, %add3A_238 : i32
      %get3A_240 = arith.index_cast %add3A_239 : i32 to index
      %get3A_241 = arith.constant 0 : index
      %get3A_242 = tpu.vector_load %arg8[%get3A_240, %get3A_241] {strides = array<i32>} : memref<3328x16xf32, #tpu.memory_space<vmem>>, vector<1x16xf32>,
      %get3A_243 = vector.shape_cast %get3A_242 : vector<1x16xf32> to vector<16xf32>
      %swap3A_244 = arith.index_cast %scan3A_28 : i32 to index
      %swap3A_245 = arith.constant 256 : index
      %swap3A_246 = tpu.vector_load %arg9[%swap3A_244, %swap3A_245] {strides = array<i32>} : memref<128x512xf32, #tpu.memory_space<vmem>>, vector<1x16xf32>,
      %swap3A_247 = vector.shape_cast %swap3A_246 : vector<1x16xf32> to vector<16xf32>
      %swap3A_248 = vector.shape_cast %get3A_243 : vector<16xf32> to vector<1x16xf32>
      tpu.vector_store %arg9[%swap3A_244, %swap3A_245], %swap3A_248 {strides = array<i32>} : memref<128x512xf32, #tpu.memory_space<vmem>>, vector<1x16xf32>,
      %mul3A_249 = arith.constant 26 : i32
      %mul3A_250 = arith.muli %scan3A_28, %mul3A_249 : i32
      %add3A_251 = arith.constant 17 : i32
      %add3A_252 = arith.addi %mul3A_250, %add3A_251 : i32
      %get3A_253 = arith.index_cast %add3A_252 : i32 to index
      %get3A_254 = arith.constant 0 : index
      %get3A_255 = tpu.vector_load %arg8[%get3A_253, %get3A_254] {strides = array<i32>} : memref<3328x16xf32, #tpu.memory_space<vmem>>, vector<1x16xf32>,
      %get3A_256 = vector.shape_cast %get3A_255 : vector<1x16xf32> to vector<16xf32>
      %swap3A_257 = arith.index_cast %scan3A_28 : i32 to index
      %swap3A_258 = arith.constant 272 : index
      %swap3A_259 = tpu.vector_load %arg9[%swap3A_257, %swap3A_258] {strides = array<i32>} : memref<128x512xf32, #tpu.memory_space<vmem>>, vector<1x16xf32>,
      %swap3A_260 = vector.shape_cast %swap3A_259 : vector<1x16xf32> to vector<16xf32>
      %swap3A_261 = vector.shape_cast %get3A_256 : vector<16xf32> to vector<1x16xf32>
      tpu.vector_store %arg9[%swap3A_257, %swap3A_258], %swap3A_261 {strides = array<i32>} : memref<128x512xf32, #tpu.memory_space<vmem>>, vector<1x16xf32>,
      %mul3A_262 = arith.constant 26 : i32
      %mul3A_263 = arith.muli %scan3A_28, %mul3A_262 : i32
      %add3A_264 = arith.constant 18 : i32
      %add3A_265 = arith.addi %mul3A_263, %add3A_264 : i32
      %get3A_266 = arith.index_cast %add3A_265 : i32 to index
      %get3A_267 = arith.constant 0 : index
      %get3A_268 = tpu.vector_load %arg8[%get3A_266, %get3A_267] {strides = array<i32>} : memref<3328x16xf32, #tpu.memory_space<vmem>>, vector<1x16xf32>,
      %get3A_269 = vector.shape_cast %get3A_268 : vector<1x16xf32> to vector<16xf32>
      %swap3A_270 = arith.index_cast %scan3A_28 : i32 to index
      %swap3A_271 = arith.constant 288 : index
      %swap3A_272 = tpu.vector_load %arg9[%swap3A_270, %swap3A_271] {strides = array<i32>} : memref<128x512xf32, #tpu.memory_space<vmem>>, vector<1x16xf32>,
      %swap3A_273 = vector.shape_cast %swap3A_272 : vector<1x16xf32> to vector<16xf32>
      %swap3A_274 = vector.shape_cast %get3A_269 : vector<16xf32> to vector<1x16xf32>
      tpu.vector_store %arg9[%swap3A_270, %swap3A_271], %swap3A_274 {strides = array<i32>} : memref<128x512xf32, #tpu.memory_space<vmem>>, vector<1x16xf32>,
      %mul3A_275 = arith.constant 26 : i32
      %mul3A_276 = arith.muli %scan3A_28, %mul3A_275 : i32
      %add3A_277 = arith.constant 19 : i32
      %add3A_278 = arith.addi %mul3A_276, %add3A_277 : i32
      %get3A_279 = arith.index_cast %add3A_278 : i32 to index
      %get3A_280 = arith.constant 0 : index
      %get3A_281 = tpu.vector_load %arg8[%get3A_279, %get3A_280] {strides = array<i32>} : memref<3328x16xf32, #tpu.memory_space<vmem>>, vector<1x16xf32>,
      %get3A_282 = vector.shape_cast %get3A_281 : vector<1x16xf32> to vector<16xf32>
      %swap3A_283 = arith.index_cast %scan3A_28 : i32 to index
      %swap3A_284 = arith.constant 304 : index
      %swap3A_285 = tpu.vector_load %arg9[%swap3A_283, %swap3A_284] {strides = array<i32>} : memref<128x512xf32, #tpu.memory_space<vmem>>, vector<1x16xf32>,
      %swap3A_286 = vector.shape_cast %swap3A_285 : vector<1x16xf32> to vector<16xf32>
      %swap3A_287 = vector.shape_cast %get3A_282 : vector<16xf32> to vector<1x16xf32>
      tpu.vector_store %arg9[%swap3A_283, %swap3A_284], %swap3A_287 {strides = array<i32>} : memref<128x512xf32, #tpu.memory_space<vmem>>, vector<1x16xf32>,
      %mul3A_288 = arith.constant 26 : i32
      %mul3A_289 = arith.muli %scan3A_28, %mul3A_288 : i32
      %add3A_290 = arith.constant 20 : i32
      %add3A_291 = arith.addi %mul3A_289, %add3A_290 : i32
      %get3A_292 = arith.index_cast %add3A_291 : i32 to index
      %get3A_293 = arith.constant 0 : index
      %get3A_294 = tpu.vector_load %arg8[%get3A_292, %get3A_293] {strides = array<i32>} : memref<3328x16xf32, #tpu.memory_space<vmem>>, vector<1x16xf32>,
      %get3A_295 = vector.shape_cast %get3A_294 : vector<1x16xf32> to vector<16xf32>
      %swap3A_296 = arith.index_cast %scan3A_28 : i32 to index
      %swap3A_297 = arith.constant 320 : index
      %swap3A_298 = tpu.vector_load %arg9[%swap3A_296, %swap3A_297] {strides = array<i32>} : memref<128x512xf32, #tpu.memory_space<vmem>>, vector<1x16xf32>,
      %swap3A_299 = vector.shape_cast %swap3A_298 : vector<1x16xf32> to vector<16xf32>
      %swap3A_300 = vector.shape_cast %get3A_295 : vector<16xf32> to vector<1x16xf32>
      tpu.vector_store %arg9[%swap3A_296, %swap3A_297], %swap3A_300 {strides = array<i32>} : memref<128x512xf32, #tpu.memory_space<vmem>>, vector<1x16xf32>,
      %mul3A_301 = arith.constant 26 : i32
      %mul3A_302 = arith.muli %scan3A_28, %mul3A_301 : i32
      %add3A_303 = arith.constant 21 : i32
      %add3A_304 = arith.addi %mul3A_302, %add3A_303 : i32
      %get3A_305 = arith.index_cast %add3A_304 : i32 to index
      %get3A_306 = arith.constant 0 : index
      %get3A_307 = tpu.vector_load %arg8[%get3A_305, %get3A_306] {strides = array<i32>} : memref<3328x16xf32, #tpu.memory_space<vmem>>, vector<1x16xf32>,
      %get3A_308 = vector.shape_cast %get3A_307 : vector<1x16xf32> to vector<16xf32>
      %swap3A_309 = arith.index_cast %scan3A_28 : i32 to index
      %swap3A_310 = arith.constant 336 : index
      %swap3A_311 = tpu.vector_load %arg9[%swap3A_309, %swap3A_310] {strides = array<i32>} : memref<128x512xf32, #tpu.memory_space<vmem>>, vector<1x16xf32>,
      %swap3A_312 = vector.shape_cast %swap3A_311 : vector<1x16xf32> to vector<16xf32>
      %swap3A_313 = vector.shape_cast %get3A_308 : vector<16xf32> to vector<1x16xf32>
      tpu.vector_store %arg9[%swap3A_309, %swap3A_310], %swap3A_313 {strides = array<i32>} : memref<128x512xf32, #tpu.memory_space<vmem>>, vector<1x16xf32>,
      %mul3A_314 = arith.constant 26 : i32
      %mul3A_315 = arith.muli %scan3A_28, %mul3A_314 : i32
      %add3A_316 = arith.constant 22 : i32
      %add3A_317 = arith.addi %mul3A_315, %add3A_316 : i32
      %get3A_318 = arith.index_cast %add3A_317 : i32 to index
      %get3A_319 = arith.constant 0 : index
      %get3A_320 = tpu.vector_load %arg8[%get3A_318, %get3A_319] {strides = array<i32>} : memref<3328x16xf32, #tpu.memory_space<vmem>>, vector<1x16xf32>,
      %get3A_321 = vector.shape_cast %get3A_320 : vector<1x16xf32> to vector<16xf32>
      %swap3A_322 = arith.index_cast %scan3A_28 : i32 to index
      %swap3A_323 = arith.constant 352 : index
      %swap3A_324 = tpu.vector_load %arg9[%swap3A_322, %swap3A_323] {strides = array<i32>} : memref<128x512xf32, #tpu.memory_space<vmem>>, vector<1x16xf32>,
      %swap3A_325 = vector.shape_cast %swap3A_324 : vector<1x16xf32> to vector<16xf32>
      %swap3A_326 = vector.shape_cast %get3A_321 : vector<16xf32> to vector<1x16xf32>
      tpu.vector_store %arg9[%swap3A_322, %swap3A_323], %swap3A_326 {strides = array<i32>} : memref<128x512xf32, #tpu.memory_space<vmem>>, vector<1x16xf32>,
      %mul3A_327 = arith.constant 26 : i32
      %mul3A_328 = arith.muli %scan3A_28, %mul3A_327 : i32
      %add3A_329 = arith.constant 23 : i32
      %add3A_330 = arith.addi %mul3A_328, %add3A_329 : i32
      %get3A_331 = arith.index_cast %add3A_330 : i32 to index
      %get3A_332 = arith.constant 0 : index
      %get3A_333 = tpu.vector_load %arg8[%get3A_331, %get3A_332] {strides = array<i32>} : memref<3328x16xf32, #tpu.memory_space<vmem>>, vector<1x16xf32>,
      %get3A_334 = vector.shape_cast %get3A_333 : vector<1x16xf32> to vector<16xf32>
      %swap3A_335 = arith.index_cast %scan3A_28 : i32 to index
      %swap3A_336 = arith.constant 368 : index
      %swap3A_337 = tpu.vector_load %arg9[%swap3A_335, %swap3A_336] {strides = array<i32>} : memref<128x512xf32, #tpu.memory_space<vmem>>, vector<1x16xf32>,
      %swap3A_338 = vector.shape_cast %swap3A_337 : vector<1x16xf32> to vector<16xf32>
      %swap3A_339 = vector.shape_cast %get3A_334 : vector<16xf32> to vector<1x16xf32>
      tpu.vector_store %arg9[%swap3A_335, %swap3A_336], %swap3A_339 {strides = array<i32>} : memref<128x512xf32, #tpu.memory_space<vmem>>, vector<1x16xf32>,
      %mul3A_340 = arith.constant 26 : i32
      %mul3A_341 = arith.muli %scan3A_28, %mul3A_340 : i32
      %add3A_342 = arith.constant 24 : i32
      %add3A_343 = arith.addi %mul3A_341, %add3A_342 : i32
      %get3A_344 = arith.index_cast %add3A_343 : i32 to index
      %get3A_345 = arith.constant 0 : index
      %get3A_346 = tpu.vector_load %arg8[%get3A_344, %get3A_345] {strides = array<i32>} : memref<3328x16xf32, #tpu.memory_space<vmem>>, vector<1x16xf32>,
      %get3A_347 = vector.shape_cast %get3A_346 : vector<1x16xf32> to vector<16xf32>
      %swap3A_348 = arith.index_cast %scan3A_28 : i32 to index
      %swap3A_349 = arith.constant 384 : index
      %swap3A_350 = tpu.vector_load %arg9[%swap3A_348, %swap3A_349] {strides = array<i32>} : memref<128x512xf32, #tpu.memory_space<vmem>>, vector<1x16xf32>,
      %swap3A_351 = vector.shape_cast %swap3A_350 : vector<1x16xf32> to vector<16xf32>
      %swap3A_352 = vector.shape_cast %get3A_347 : vector<16xf32> to vector<1x16xf32>
      tpu.vector_store %arg9[%swap3A_348, %swap3A_349], %swap3A_352 {strides = array<i32>} : memref<128x512xf32, #tpu.memory_space<vmem>>, vector<1x16xf32>,
      %mul3A_353 = arith.constant 26 : i32
      %mul3A_354 = arith.muli %scan3A_28, %mul3A_353 : i32
      %add3A_355 = arith.constant 25 : i32
      %add3A_356 = arith.addi %mul3A_354, %add3A_355 : i32
      %get3A_357 = arith.index_cast %add3A_356 : i32 to index
      %get3A_358 = arith.constant 0 : index
      %get3A_359 = tpu.vector_load %arg8[%get3A_357, %get3A_358] {strides = array<i32>} : memref<3328x16xf32, #tpu.memory_space<vmem>>, vector<1x16xf32>,
      %get3A_360 = vector.shape_cast %get3A_359 : vector<1x16xf32> to vector<16xf32>
      %swap3A_361 = arith.index_cast %scan3A_28 : i32 to index
      %swap3A_362 = arith.constant 400 : index
      %swap3A_363 = tpu.vector_load %arg9[%swap3A_361, %swap3A_362] {strides = array<i32>} : memref<128x512xf32, #tpu.memory_space<vmem>>, vector<1x16xf32>,
      %swap3A_364 = vector.shape_cast %swap3A_363 : vector<1x16xf32> to vector<16xf32>
      %swap3A_365 = vector.shape_cast %get3A_360 : vector<16xf32> to vector<1x16xf32>
      tpu.vector_store %arg9[%swap3A_361, %swap3A_362], %swap3A_365 {strides = array<i32>} : memref<128x512xf32, #tpu.memory_space<vmem>>, vector<1x16xf32>,
      %swap3A_366 = arith.index_cast %scan3A_28 : i32 to index
      %swap3A_367 = arith.constant 416 : index
      %swap3A_368 = tpu.vector_load %arg9[%swap3A_366, %swap3A_367] {strides = array<i32>} : memref<128x512xf32, #tpu.memory_space<vmem>>, vector<1x16xf32>,
      %swap3A_369 = vector.shape_cast %swap3A_368 : vector<1x16xf32> to vector<16xf32>
      %swap3A_370 = vector.shape_cast %broadcast_in_dim3A_16 : vector<16xf32> to vector<1x16xf32>
      tpu.vector_store %arg9[%swap3A_366, %swap3A_367], %swap3A_370 {strides = array<i32>} : memref<128x512xf32, #tpu.memory_space<vmem>>, vector<1x16xf32>,
      %swap3A_371 = arith.index_cast %scan3A_28 : i32 to index
      %swap3A_372 = arith.constant 432 : index
      %swap3A_373 = tpu.vector_load %arg9[%swap3A_371, %swap3A_372] {strides = array<i32>} : memref<128x512xf32, #tpu.memory_space<vmem>>, vector<1x16xf32>,
      %swap3A_374 = vector.shape_cast %swap3A_373 : vector<1x16xf32> to vector<16xf32>
      %swap3A_375 = vector.shape_cast %broadcast_in_dim3A_16 : vector<16xf32> to vector<1x16xf32>
      tpu.vector_store %arg9[%swap3A_371, %swap3A_372], %swap3A_375 {strides = array<i32>} : memref<128x512xf32, #tpu.memory_space<vmem>>, vector<1x16xf32>,
      %swap3A_376 = arith.index_cast %scan3A_28 : i32 to index
      %swap3A_377 = arith.constant 448 : index
      %swap3A_378 = tpu.vector_load %arg9[%swap3A_376, %swap3A_377] {strides = array<i32>} : memref<128x512xf32, #tpu.memory_space<vmem>>, vector<1x16xf32>,
      %swap3A_379 = vector.shape_cast %swap3A_378 : vector<1x16xf32> to vector<16xf32>
      %swap3A_380 = vector.shape_cast %broadcast_in_dim3A_16 : vector<16xf32> to vector<1x16xf32>
      tpu.vector_store %arg9[%swap3A_376, %swap3A_377], %swap3A_380 {strides = array<i32>} : memref<128x512xf32, #tpu.memory_space<vmem>>, vector<1x16xf32>,
      %swap3A_381 = arith.index_cast %scan3A_28 : i32 to index
      %swap3A_382 = arith.constant 464 : index
      %swap3A_383 = tpu.vector_load %arg9[%swap3A_381, %swap3A_382] {strides = array<i32>} : memref<128x512xf32, #tpu.memory_space<vmem>>, vector<1x16xf32>,
      %swap3A_384 = vector.shape_cast %swap3A_383 : vector<1x16xf32> to vector<16xf32>
      %swap3A_385 = vector.shape_cast %broadcast_in_dim3A_16 : vector<16xf32> to vector<1x16xf32>
      tpu.vector_store %arg9[%swap3A_381, %swap3A_382], %swap3A_385 {strides = array<i32>} : memref<128x512xf32, #tpu.memory_space<vmem>>, vector<1x16xf32>,
      %swap3A_386 = arith.index_cast %scan3A_28 : i32 to index
      %swap3A_387 = arith.constant 480 : index
      %swap3A_388 = tpu.vector_load %arg9[%swap3A_386, %swap3A_387] {strides = array<i32>} : memref<128x512xf32, #tpu.memory_space<vmem>>, vector<1x16xf32>,
      %swap3A_389 = vector.shape_cast %swap3A_388 : vector<1x16xf32> to vector<16xf32>
      %swap3A_390 = vector.shape_cast %broadcast_in_dim3A_16 : vector<16xf32> to vector<1x16xf32>
      tpu.vector_store %arg9[%swap3A_386, %swap3A_387], %swap3A_390 {strides = array<i32>} : memref<128x512xf32, #tpu.memory_space<vmem>>, vector<1x16xf32>,
      %swap3A_391 = arith.index_cast %scan3A_28 : i32 to index
      %swap3A_392 = arith.constant 496 : index
      %swap3A_393 = tpu.vector_load %arg9[%swap3A_391, %swap3A_392] {strides = array<i32>} : memref<128x512xf32, #tpu.memory_space<vmem>>, vector<1x16xf32>,
      %swap3A_394 = vector.shape_cast %swap3A_393 : vector<1x16xf32> to vector<16xf32>
      %swap3A_395 = vector.shape_cast %broadcast_in_dim3A_16 : vector<16xf32> to vector<1x16xf32>
      tpu.vector_store %arg9[%swap3A_391, %swap3A_392], %swap3A_395 {strides = array<i32>} : memref<128x512xf32, #tpu.memory_space<vmem>>, vector<1x16xf32>,
      %scan3A_396 = arith.constant 0 : i32
      scf.yield %scan3A_396 : i32
    }
    %scan3A_23 = arith.constant 128 : i32
    %mul3A_24 = arith.constant 128 : i32
    %mul3A_25 = arith.muli %add3A, %mul3A_24 : i32
    "tpu.region"() ({
      %run_scoped3A = tpu.sem_alloc : memref<!tpu.dma_semaphore, #tpu.memory_space<semaphore_mem>>
      %dma_start3A = arith.constant 0 : i32
      %dma_start3A_28 = tpu.memref_slice %arg5[%mul3A_25, %dma_start3A] : memref<4096x512xf32, #tpu.memory_space<hbm>> -> memref<128x512xf32, #tpu.memory_space<hbm>>
      %dma_start3A_29 = arith.constant 0 : i32
      %dma_start3A_30 = tpu.memref_slice %arg5[%mul3A_25, %dma_start3A_29] : memref<4096x512xf32, #tpu.memory_space<hbm>> -> memref<128x512xf32, #tpu.memory_space<hbm>>
      tpu.enqueue_dma source(%arg9 : memref<128x512xf32, #tpu.memory_space<vmem>>) target(%dma_start3A_30 : memref<128x512xf32, #tpu.memory_space<hbm>>) target_semaphore(%run_scoped3A : memref<!tpu.dma_semaphore, #tpu.memory_space<semaphore_mem>>)
      %dma_wait3A = arith.constant 0 : i32
      %dma_wait3A_31 = tpu.memref_slice %arg5[%mul3A_25, %dma_wait3A] : memref<4096x512xf32, #tpu.memory_space<hbm>> -> memref<128x512xf32, #tpu.memory_space<hbm>>
      %dma_wait3A_32 = arith.constant 0 : i32
      %dma_wait3A_33 = tpu.memref_slice %arg5[%mul3A_25, %dma_wait3A_32] : memref<4096x512xf32, #tpu.memory_space<hbm>> -> memref<128x512xf32, #tpu.memory_space<hbm>>
      tpu.wait_dma2 semaphore(%run_scoped3A : memref<!tpu.dma_semaphore, #tpu.memory_space<semaphore_mem>>) src(%arg9 : memref<128x512xf32, #tpu.memory_space<vmem>>) dst(%dma_wait3A_33 : memref<128x512xf32, #tpu.memory_space<hbm>>)
      tpu.yield
    }) : () -> ()
    %mul3A_26 = arith.constant 26 : i32
    %mul3A_27 = arith.muli %add3A, %mul3A_26 : i32
    "tpu.region"() ({
      %run_scoped3A = tpu.sem_alloc : memref<!tpu.dma_semaphore, #tpu.memory_space<semaphore_mem>>
      %dma_start3A = arith.constant 0 : i32
      %dma_start3A_28 = tpu.memref_slice %arg6[%mul3A_27, %dma_start3A] : memref<832x128xf32, #tpu.memory_space<hbm>> -> memref<26x128xf32, #tpu.memory_space<hbm>>
      %dma_start3A_29 = arith.constant 0 : i32
      %dma_start3A_30 = tpu.memref_slice %arg6[%mul3A_27, %dma_start3A_29] : memref<832x128xf32, #tpu.memory_space<hbm>> -> memref<26x128xf32, #tpu.memory_space<hbm>>
      tpu.enqueue_dma source(%arg10 : memref<26x128xf32, #tpu.memory_space<vmem>>) target(%dma_start3A_30 : memref<26x128xf32, #tpu.memory_space<hbm>>) target_semaphore(%run_scoped3A : memref<!tpu.dma_semaphore, #tpu.memory_space<semaphore_mem>>)
      %dma_wait3A = arith.constant 0 : i32
      %dma_wait3A_31 = tpu.memref_slice %arg6[%mul3A_27, %dma_wait3A] : memref<832x128xf32, #tpu.memory_space<hbm>> -> memref<26x128xf32, #tpu.memory_space<hbm>>
      %dma_wait3A_32 = arith.constant 0 : i32
      %dma_wait3A_33 = tpu.memref_slice %arg6[%mul3A_27, %dma_wait3A_32] : memref<832x128xf32, #tpu.memory_space<hbm>> -> memref<26x128xf32, #tpu.memory_space<hbm>>
      tpu.wait_dma2 semaphore(%run_scoped3A : memref<!tpu.dma_semaphore, #tpu.memory_space<semaphore_mem>>) src(%arg10 : memref<26x128xf32, #tpu.memory_space<vmem>>) dst(%dma_wait3A_33 : memref<26x128xf32, #tpu.memory_space<hbm>>)
      tpu.yield
    }) : () -> ()
    return
  }
}

module attributes {stable_mosaic.version = 14 : i64} {
  func.func @_tc_body(%arg0: memref<4096x512xf32, #tpu.memory_space<vmem>>, %arg1: memref<4096x26xf32, #tpu.memory_space<vmem>>, %arg2: memref<4096x13xf32, #tpu.memory_space<vmem>>, %arg3: memref<13x1xf32, #tpu.memory_space<vmem>>, %arg4: memref<1x1xf32, #tpu.memory_space<vmem>>, %arg5: memref<512x64xf32, #tpu.memory_space<vmem>>, %arg6: memref<13x64xf32, #tpu.memory_space<vmem>>, %arg7: memref<1x64xf32, #tpu.memory_space<vmem>>, %arg8: memref<1x64xf32, #tpu.memory_space<vmem>>, %arg9: memref<1x64xf32, #tpu.memory_space<vmem>>, %arg10: memref<64x32xf32, #tpu.memory_space<vmem>>, %arg11: memref<1x32xf32, #tpu.memory_space<vmem>>, %arg12: memref<1x32xf32, #tpu.memory_space<vmem>>, %arg13: memref<1x32xf32, #tpu.memory_space<vmem>>, %arg14: memref<32x1xf32, #tpu.memory_space<vmem>>, %arg15: memref<1x1xf32, #tpu.memory_space<vmem>>, %arg16: memref<4096x1xf32, #tpu.memory_space<vmem>>) attributes {dimension_semantics = [], scalar_prefetch = 0 : i64, scratch_operands = 0 : i64, tpu.core_type = #tpu.core_type<tc>} {
    %get3A = arith.constant 0 : index
    %get3A_0 = arith.constant 0 : index
    %get3A_1 = vector.load %arg0[%get3A, %get3A_0] : memref<4096x512xf32, #tpu.memory_space<vmem>>, vector<4096x512xf32>
    %get3A_2 = arith.constant 0 : index
    %get3A_3 = arith.constant 0 : index
    %get3A_4 = vector.load %arg2[%get3A_2, %get3A_3] : memref<4096x13xf32, #tpu.memory_space<vmem>>, vector<4096x13xf32>
    %get3A_5 = arith.constant 0 : index
    %get3A_6 = arith.constant 0 : index
    %get3A_7 = vector.load %arg1[%get3A_5, %get3A_6] : memref<4096x26xf32, #tpu.memory_space<vmem>>, vector<4096x26xf32>
    %reduce_sum3A = arith.constant dense<0.000000e+00> : vector<4096xf32>
    %reduce_sum3A_8 = vector.multi_reduction <add>, %get3A_7, %reduce_sum3A [1] : vector<4096x26xf32> to vector<4096xf32>
    %broadcast_in_dim3A = vector.shape_cast %reduce_sum3A_8 : vector<4096xf32> to vector<4096x1xf32>
    %get3A_9 = arith.constant 0 : index
    %get3A_10 = arith.constant 0 : index
    %get3A_11 = vector.load %arg3[%get3A_9, %get3A_10] : memref<13x1xf32, #tpu.memory_space<vmem>>, vector<13x1xf32>
    %dot_general3A = arith.constant dense<0.000000e+00> : vector<4096x1xf32>
    %dot_general3A_12 = tpu.matmul %get3A_4, %get3A_11, %dot_general3A {dimension_numbers = #tpu.dot_dimension_numbers<[1], [0], [0], [1], [0, 0, 1, 1], [], []>, transpose_lhs_hint = false} : vector<4096x13xf32>, vector<13x1xf32>, vector<4096x1xf32> -> vector<4096x1xf32>
    %add3A = arith.addf %broadcast_in_dim3A, %dot_general3A_12 : vector<4096x1xf32>
    %get3A_13 = arith.constant 0 : index
    %get3A_14 = arith.constant 0 : index
    %get3A_15 = vector.load %arg4[%get3A_13, %get3A_14] : memref<1x1xf32, #tpu.memory_space<vmem>>, vector<1x1xf32>
    %add3A_16 = vector.broadcast %get3A_15 : vector<1x1xf32> to vector<4096x1xf32>
    %add3A_17 = arith.addf %add3A, %add3A_16 : vector<4096x1xf32>
    %iota3A = tpu.iota {dimensions = array<i32: 0>} : vector<512x16xi32>
    %iota3A_18 = tpu.iota {dimensions = array<i32: 1>} : vector<512x16xi32>
    %jit3A = arith.constant 16 : i32
    %eq3A = arith.constant 0 : i32
    %eq3A_19 = arith.cmpi eq, %jit3A, %eq3A : i32
    %jit3A_20 = arith.constant 1 : i32
    %select_n3A = arith.select %eq3A_19, %jit3A_20, %jit3A : i32
    %rem3A = vector.broadcast %select_n3A : i32 to vector<512x16xi32>
    %rem3A_21 = arith.remsi %iota3A, %rem3A : vector<512x16xi32>
    %ne3A = arith.constant 0 : i32
    %ne3A_22 = vector.broadcast %ne3A : i32 to vector<512x16xi32>
    %ne3A_23 = arith.cmpi ne, %rem3A_21, %ne3A_22 : vector<512x16xi32>
    %lt3A = arith.constant 0 : i32
    %lt3A_24 = vector.broadcast %lt3A : i32 to vector<512x16xi32>
    %lt3A_25 = arith.cmpi slt, %rem3A_21, %lt3A_24 : vector<512x16xi32>
    %lt3A_26 = arith.constant 0 : i32
    %lt3A_27 = arith.cmpi slt, %select_n3A, %lt3A_26 : i32
    %ne3A_28 = vector.broadcast %lt3A_27 : i1 to vector<512x16xi1>
    %ne3A_29 = vector.broadcast %ne3A_28 : vector<512x16xi1> to vector<512x16xi1>
    %ne3A_30 = arith.xori %lt3A_25, %ne3A_29 : vector<512x16xi1>
    %and3A = arith.andi %ne3A_30, %ne3A_23 : vector<512x16xi1>
    %add3A_31 = vector.broadcast %select_n3A : i32 to vector<512x16xi32>
    %add3A_32 = arith.addi %rem3A_21, %add3A_31 : vector<512x16xi32>
    %select_n3A_33 = arith.select %and3A, %add3A_32, %rem3A_21 : vector<512x16xi1>, vector<512x16xi32>
    %eq3A_34 = arith.cmpi eq, %select_n3A_33, %iota3A_18 : vector<512x16xi32>
    %jit3A_35 = arith.constant 1.000000e+00 : f32
    %jit3A_36 = arith.constant 0.000000e+00 : f32
    %broadcast_in_dim3A_37 = vector.broadcast %jit3A_35 : f32 to vector<512x16xf32>
    %broadcast_in_dim3A_38 = vector.broadcast %jit3A_36 : f32 to vector<512x16xf32>
    %select_n3A_39 = arith.select %eq3A_34, %broadcast_in_dim3A_37, %broadcast_in_dim3A_38 : vector<512x16xi1>, vector<512x16xf32>
    %dot_general3A_40 = arith.constant dense<0.000000e+00> : vector<4096x16xf32>
    %dot_general3A_41 = tpu.matmul %get3A_1, %select_n3A_39, %dot_general3A_40 {dimension_numbers = #tpu.dot_dimension_numbers<[1], [0], [0], [1], [0, 0, 1, 1], [], []>, transpose_lhs_hint = false} : vector<4096x512xf32>, vector<512x16xf32>, vector<4096x16xf32> -> vector<4096x16xf32>
    %mul3A = arith.mulf %get3A_1, %get3A_1 : vector<4096x512xf32>
    %dot_general3A_42 = arith.constant dense<0.000000e+00> : vector<4096x16xf32>
    %dot_general3A_43 = tpu.matmul %mul3A, %select_n3A_39, %dot_general3A_42 {dimension_numbers = #tpu.dot_dimension_numbers<[1], [0], [0], [1], [0, 0, 1, 1], [], []>, transpose_lhs_hint = false} : vector<4096x512xf32>, vector<512x16xf32>, vector<4096x16xf32> -> vector<4096x16xf32>
    %mul3A_44 = arith.mulf %dot_general3A_41, %dot_general3A_41 : vector<4096x16xf32>
    %sub3A = arith.subf %mul3A_44, %dot_general3A_43 : vector<4096x16xf32>
    %reduce_sum3A_45 = arith.constant dense<0.000000e+00> : vector<4096xf32>
    %reduce_sum3A_46 = vector.multi_reduction <add>, %sub3A, %reduce_sum3A_45 [1] : vector<4096x16xf32> to vector<4096xf32>
    %broadcast_in_dim3A_47 = vector.shape_cast %reduce_sum3A_46 : vector<4096xf32> to vector<4096x1xf32>
    %mul3A_48 = arith.constant 5.000000e-01 : f32
    %mul3A_49 = vector.broadcast %mul3A_48 : f32 to vector<4096x1xf32>
    %mul3A_50 = arith.mulf %mul3A_49, %broadcast_in_dim3A_47 : vector<4096x1xf32>
    %get3A_51 = arith.constant 0 : index
    %get3A_52 = arith.constant 0 : index
    %get3A_53 = vector.load %arg5[%get3A_51, %get3A_52] : memref<512x64xf32, #tpu.memory_space<vmem>>, vector<512x64xf32>
    %dot_general3A_54 = arith.constant dense<0.000000e+00> : vector<4096x64xf32>
    %dot_general3A_55 = tpu.matmul %get3A_1, %get3A_53, %dot_general3A_54 {dimension_numbers = #tpu.dot_dimension_numbers<[1], [0], [0], [1], [0, 0, 1, 1], [], []>, transpose_lhs_hint = false} : vector<4096x512xf32>, vector<512x64xf32>, vector<4096x64xf32> -> vector<4096x64xf32>
    %get3A_56 = arith.constant 0 : index
    %get3A_57 = arith.constant 0 : index
    %get3A_58 = vector.load %arg6[%get3A_56, %get3A_57] : memref<13x64xf32, #tpu.memory_space<vmem>>, vector<13x64xf32>
    %dot_general3A_59 = arith.constant dense<0.000000e+00> : vector<4096x64xf32>
    %dot_general3A_60 = tpu.matmul %get3A_4, %get3A_58, %dot_general3A_59 {dimension_numbers = #tpu.dot_dimension_numbers<[1], [0], [0], [1], [0, 0, 1, 1], [], []>, transpose_lhs_hint = false} : vector<4096x13xf32>, vector<13x64xf32>, vector<4096x64xf32> -> vector<4096x64xf32>
    %add3A_61 = arith.addf %dot_general3A_55, %dot_general3A_60 : vector<4096x64xf32>
    %get3A_62 = arith.constant 0 : index
    %get3A_63 = arith.constant 0 : index
    %get3A_64 = vector.load %arg7[%get3A_62, %get3A_63] : memref<1x64xf32, #tpu.memory_space<vmem>>, vector<1x64xf32>
    %add3A_65 = vector.broadcast %get3A_64 : vector<1x64xf32> to vector<4096x64xf32>
    %add3A_66 = arith.addf %add3A_61, %add3A_65 : vector<4096x64xf32>
    %get3A_67 = arith.constant 0 : index
    %get3A_68 = arith.constant 0 : index
    %get3A_69 = vector.load %arg8[%get3A_67, %get3A_68] : memref<1x64xf32, #tpu.memory_space<vmem>>, vector<1x64xf32>
    %get3A_70 = arith.constant 0 : index
    %get3A_71 = arith.constant 0 : index
    %get3A_72 = vector.load %arg9[%get3A_70, %get3A_71] : memref<1x64xf32, #tpu.memory_space<vmem>>, vector<1x64xf32>
    %reduce_sum3A_73 = arith.constant dense<0.000000e+00> : vector<64xf32>
    %reduce_sum3A_74 = vector.multi_reduction <add>, %add3A_66, %reduce_sum3A_73 [0] : vector<4096x64xf32> to vector<64xf32>
    %broadcast_in_dim3A_75 = vector.shape_cast %reduce_sum3A_74 : vector<64xf32> to vector<1x64xf32>
    %div3A = arith.constant 4.096000e+03 : f32
    %div3A_76 = vector.broadcast %div3A : f32 to vector<1x64xf32>
    %div3A_77 = arith.divf %broadcast_in_dim3A_75, %div3A_76 : vector<1x64xf32>
    %mul3A_78 = arith.mulf %add3A_66, %add3A_66 : vector<4096x64xf32>
    %reduce_sum3A_79 = arith.constant dense<0.000000e+00> : vector<64xf32>
    %reduce_sum3A_80 = vector.multi_reduction <add>, %mul3A_78, %reduce_sum3A_79 [0] : vector<4096x64xf32> to vector<64xf32>
    %broadcast_in_dim3A_81 = vector.shape_cast %reduce_sum3A_80 : vector<64xf32> to vector<1x64xf32>
    %div3A_82 = arith.constant 4.096000e+03 : f32
    %div3A_83 = vector.broadcast %div3A_82 : f32 to vector<1x64xf32>
    %div3A_84 = arith.divf %broadcast_in_dim3A_81, %div3A_83 : vector<1x64xf32>
    %mul3A_85 = arith.mulf %div3A_77, %div3A_77 : vector<1x64xf32>
    %sub3A_86 = arith.subf %div3A_84, %mul3A_85 : vector<1x64xf32>
    %sub3A_87 = vector.broadcast %div3A_77 : vector<1x64xf32> to vector<4096x64xf32>
    %sub3A_88 = arith.subf %add3A_66, %sub3A_87 : vector<4096x64xf32>
    %add3A_89 = arith.constant 9.99999974E-6 : f32
    %add3A_90 = vector.broadcast %add3A_89 : f32 to vector<1x64xf32>
    %add3A_91 = arith.addf %sub3A_86, %add3A_90 : vector<1x64xf32>
    %rsqrt3A = math.rsqrt %add3A_91 : vector<1x64xf32>
    %mul3A_92 = vector.broadcast %rsqrt3A : vector<1x64xf32> to vector<4096x64xf32>
    %mul3A_93 = arith.mulf %sub3A_88, %mul3A_92 : vector<4096x64xf32>
    %mul3A_94 = vector.broadcast %get3A_69 : vector<1x64xf32> to vector<4096x64xf32>
    %mul3A_95 = arith.mulf %mul3A_93, %mul3A_94 : vector<4096x64xf32>
    %add3A_96 = vector.broadcast %get3A_72 : vector<1x64xf32> to vector<4096x64xf32>
    %add3A_97 = arith.addf %mul3A_95, %add3A_96 : vector<4096x64xf32>
    %max3A = arith.constant 0.000000e+00 : f32
    %max3A_98 = vector.broadcast %max3A : f32 to vector<4096x64xf32>
    %max3A_99 = arith.maximumf %add3A_97, %max3A_98 : vector<4096x64xf32>
    %get3A_100 = arith.constant 0 : index
    %get3A_101 = arith.constant 0 : index
    %get3A_102 = vector.load %arg10[%get3A_100, %get3A_101] : memref<64x32xf32, #tpu.memory_space<vmem>>, vector<64x32xf32>
    %dot_general3A_103 = arith.constant dense<0.000000e+00> : vector<4096x32xf32>
    %dot_general3A_104 = tpu.matmul %max3A_99, %get3A_102, %dot_general3A_103 {dimension_numbers = #tpu.dot_dimension_numbers<[1], [0], [0], [1], [0, 0, 1, 1], [], []>, transpose_lhs_hint = false} : vector<4096x64xf32>, vector<64x32xf32>, vector<4096x32xf32> -> vector<4096x32xf32>
    %get3A_105 = arith.constant 0 : index
    %get3A_106 = arith.constant 0 : index
    %get3A_107 = vector.load %arg11[%get3A_105, %get3A_106] : memref<1x32xf32, #tpu.memory_space<vmem>>, vector<1x32xf32>
    %add3A_108 = vector.broadcast %get3A_107 : vector<1x32xf32> to vector<4096x32xf32>
    %add3A_109 = arith.addf %dot_general3A_104, %add3A_108 : vector<4096x32xf32>
    %get3A_110 = arith.constant 0 : index
    %get3A_111 = arith.constant 0 : index
    %get3A_112 = vector.load %arg12[%get3A_110, %get3A_111] : memref<1x32xf32, #tpu.memory_space<vmem>>, vector<1x32xf32>
    %get3A_113 = arith.constant 0 : index
    %get3A_114 = arith.constant 0 : index
    %get3A_115 = vector.load %arg13[%get3A_113, %get3A_114] : memref<1x32xf32, #tpu.memory_space<vmem>>, vector<1x32xf32>
    %reduce_sum3A_116 = arith.constant dense<0.000000e+00> : vector<32xf32>
    %reduce_sum3A_117 = vector.multi_reduction <add>, %add3A_109, %reduce_sum3A_116 [0] : vector<4096x32xf32> to vector<32xf32>
    %broadcast_in_dim3A_118 = vector.shape_cast %reduce_sum3A_117 : vector<32xf32> to vector<1x32xf32>
    %div3A_119 = arith.constant 4.096000e+03 : f32
    %div3A_120 = vector.broadcast %div3A_119 : f32 to vector<1x32xf32>
    %div3A_121 = arith.divf %broadcast_in_dim3A_118, %div3A_120 : vector<1x32xf32>
    %mul3A_122 = arith.mulf %add3A_109, %add3A_109 : vector<4096x32xf32>
    %reduce_sum3A_123 = arith.constant dense<0.000000e+00> : vector<32xf32>
    %reduce_sum3A_124 = vector.multi_reduction <add>, %mul3A_122, %reduce_sum3A_123 [0] : vector<4096x32xf32> to vector<32xf32>
    %broadcast_in_dim3A_125 = vector.shape_cast %reduce_sum3A_124 : vector<32xf32> to vector<1x32xf32>
    %div3A_126 = arith.constant 4.096000e+03 : f32
    %div3A_127 = vector.broadcast %div3A_126 : f32 to vector<1x32xf32>
    %div3A_128 = arith.divf %broadcast_in_dim3A_125, %div3A_127 : vector<1x32xf32>
    %mul3A_129 = arith.mulf %div3A_121, %div3A_121 : vector<1x32xf32>
    %sub3A_130 = arith.subf %div3A_128, %mul3A_129 : vector<1x32xf32>
    %sub3A_131 = vector.broadcast %div3A_121 : vector<1x32xf32> to vector<4096x32xf32>
    %sub3A_132 = arith.subf %add3A_109, %sub3A_131 : vector<4096x32xf32>
    %add3A_133 = arith.constant 9.99999974E-6 : f32
    %add3A_134 = vector.broadcast %add3A_133 : f32 to vector<1x32xf32>
    %add3A_135 = arith.addf %sub3A_130, %add3A_134 : vector<1x32xf32>
    %rsqrt3A_136 = math.rsqrt %add3A_135 : vector<1x32xf32>
    %mul3A_137 = vector.broadcast %rsqrt3A_136 : vector<1x32xf32> to vector<4096x32xf32>
    %mul3A_138 = arith.mulf %sub3A_132, %mul3A_137 : vector<4096x32xf32>
    %mul3A_139 = vector.broadcast %get3A_112 : vector<1x32xf32> to vector<4096x32xf32>
    %mul3A_140 = arith.mulf %mul3A_138, %mul3A_139 : vector<4096x32xf32>
    %add3A_141 = vector.broadcast %get3A_115 : vector<1x32xf32> to vector<4096x32xf32>
    %add3A_142 = arith.addf %mul3A_140, %add3A_141 : vector<4096x32xf32>
    %max3A_143 = arith.constant 0.000000e+00 : f32
    %max3A_144 = vector.broadcast %max3A_143 : f32 to vector<4096x32xf32>
    %max3A_145 = arith.maximumf %add3A_142, %max3A_144 : vector<4096x32xf32>
    %get3A_146 = arith.constant 0 : index
    %get3A_147 = arith.constant 0 : index
    %get3A_148 = vector.load %arg14[%get3A_146, %get3A_147] : memref<32x1xf32, #tpu.memory_space<vmem>>, vector<32x1xf32>
    %dot_general3A_149 = arith.constant dense<0.000000e+00> : vector<4096x1xf32>
    %dot_general3A_150 = tpu.matmul %max3A_145, %get3A_148, %dot_general3A_149 {dimension_numbers = #tpu.dot_dimension_numbers<[1], [0], [0], [1], [0, 0, 1, 1], [], []>, transpose_lhs_hint = false} : vector<4096x32xf32>, vector<32x1xf32>, vector<4096x1xf32> -> vector<4096x1xf32>
    %get3A_151 = arith.constant 0 : index
    %get3A_152 = arith.constant 0 : index
    %get3A_153 = vector.load %arg15[%get3A_151, %get3A_152] : memref<1x1xf32, #tpu.memory_space<vmem>>, vector<1x1xf32>
    %add3A_154 = vector.broadcast %get3A_153 : vector<1x1xf32> to vector<4096x1xf32>
    %add3A_155 = arith.addf %dot_general3A_150, %add3A_154 : vector<4096x1xf32>
    %add3A_156 = arith.addf %add3A_155, %add3A_17 : vector<4096x1xf32>
    %add3A_157 = arith.addf %add3A_156, %mul3A_50 : vector<4096x1xf32>
    %logistic3A = arith.negf %add3A_157 : vector<4096x1xf32>
    %logistic3A_158 = math.exp %logistic3A : vector<4096x1xf32>
    %logistic3A_159 = arith.constant 1.000000e+00 : f32
    %logistic3A_160 = vector.broadcast %logistic3A_159 : f32 to vector<4096x1xf32>
    %logistic3A_161 = arith.addf %logistic3A_160, %logistic3A_158 : vector<4096x1xf32>
    %logistic3A_162 = arith.divf %logistic3A_160, %logistic3A_161 : vector<4096x1xf32>
    %swap3A = arith.constant 0 : index
    %swap3A_163 = arith.constant 0 : index
    %swap3A_164 = vector.load %arg16[%swap3A, %swap3A_163] : memref<4096x1xf32, #tpu.memory_space<vmem>>, vector<4096x1xf32>
    tpu.vector_store %arg16[%swap3A, %swap3A_163], %logistic3A_162 {strides = array<i32>} : memref<4096x1xf32, #tpu.memory_space<vmem>>, vector<4096x1xf32>,
    return
  }
}

</mosaic_0001>

<sc_bundles>
// kernel: kernel.4.cloned.1.call-start
scs
__scs_entry_jumppad:
0x0: {  	(pc) =	sbr.rel $0x88, $3  }
0x1: {  	(tag) =	ssettag $0x0;
	lr =	simm.s32 $0x1  }
0x2: {  	[smem:$0x3F91] =	sst lr;
	_ =	strace $0xD0000000  }
0x3: {  	_ = 	snop  }
0x4: {  	_ = 	snop  }
0x5: {  	_ = 	snop  }
0x6: {  	_ = 	snop  }
0x7: {  	_ = 	snop  }
__scs_overlays_trampoline_lowered:
0x8: {  	[smem:$0x3FA0] =	sst s0  }
0x9: {  	[smem:$0x3FA1] =	sst s1  }
0xa: {  	[smem:$0x3FA2] =	sst s2  }
0xb: {  	[smem:$0x3FA3] =	sst s3  }
0xc: {  	[smem:$0x3FA4] =	sst s4  }
0xd: {  	[smem:$0x3FA5] =	sst s5  }
0xe: {  	[smem:$0x3FA6] =	sst s6  }
0xf: {  	[smem:$0x3FA7] =	sst s7  }
0x10: {  	[smem:$0x3FA8] =	sst s8  }
0x11: {  	[smem:$0x3FA9] =	sst s9;
	s0 =	simm.s32 @!p0 $0x0  }
0x12: {  	s1 =	sld [smem:$0x3F8F];
	s0 =	simm.s32 @p0 $0x1  }
0x13: {  	[smem:$0x3FAA] =	sst s0;
	s0 =	simm.s32 @!p1 $0x0  }
0x14: {  	s2 =	sld [smem:$0x3F8E];
	s0 =	simm.s32 @p1 $0x1  }
0x15: {  	[smem:$0x3FAB] =	sst s0;
	s0 =	simm.s32 @!p2 $0x0  }
0x16: {  	s3 =	sld [smem:$0x3FDB];
	s0 =	simm.s32 @p2 $0x1  }
0x17: {  	s4 =	simm.s32 $0x1BF5;
	[smem:$0x3FAD] =	sst s0  }
0x18: {  	s0 =	sld [smem:$0x3F90];
	_ =	swait.ge [sflag:s4], $0x0  }
0x19: {  	s7 =	sld [smem:$0x3F91]  }
0x1a: {  	s8 =	sadd.s32 $0xFFFFE003, lr  }
0x1b: {  	s9 =	sadd.s32 $0xFFFFFEF7, lr;
	s5 =	simm.s32 $0xFFFFFFFF;
	p2 =	slt.u32 s8, $0xFFFFF086  }
0x1c: {  	p1 =	slt.u32 s9, $0xF7A;
	s5 =	simm.s32 @!p2 $0x0  }
0x1d: {  	s5 =	simm.s32 @p1 $0x1;
	p0 =	seq.s32 s7, s2  }
0x1e: {  	s7 =	smul.u32 @!p0 $0xF7A, s2;
	p2 =	seq.s32 @!p0 s5, $0x0  }
0x1f: {  	s9 =	smul.u32 $0xF7A, s1;
	s8 =	simm.s32 @!p0 $0x1BF5;
	p2 =	por !p2, p0  }
0x20: {  	[sflag:s8] =	ssyncset.s32 @!p0 $0xFFFFF086;
	s6 =	sadd.s32 @!p0 s3, s7;
	s7 =	simm.s32 @!p0 $0x108  }
0x21: {  	s3 =	sadd.s32 s3, s9;
	s6 =	sadd.s32 @!p0 $0x88, s6;
	s7 =	simm.s32 @p2 $0x1082  }
0x22: {  	[simem:s7], [sflag:s8] =	dma.local @!p0 [hbm:s6], $0xF7A  }
0x23: {  	s9 =	sor.u32 $0xD0000000, s2;
	s6 =	simm.s32 $0x108;
	_ =	swait.ge @!p0 [sflag:s8], $0x0  }
0x24: {  	s3 =	sadd.s32 $0x88, s3;
	s6 =	simm.s32 @!p1 $0x1082;
	[sflag:s4] =	ssyncset.s32 $0xFFFFF086  }
0x25: {  	[simem:s6], [sflag:s4] =	dma.local [hbm:s3], $0xF7A  }
0x26: {  	[smem:$0x3F91] =	sst s1;
	(tag) =	ssettag s2;
	_ =	strace s9  }
0x27: {  	s1 =	sld [smem:$0x3FA1]  }
0x28: {  	s2 =	sld [smem:$0x3FA2]  }
0x29: {  	s4 =	sld [smem:$0x3FA4]  }
0x2a: {  	p0 =	seq.s32 s5, $0x0;
	s5 =	sld [smem:$0x3FA5]  }
0x2b: {  	s6 =	sld [smem:$0x3FA6]  }
0x2c: {  	s7 =	sld [smem:$0x3FA7]  }
0x2d: {  	s3 =	simm.s32 $0x108;
	s8 =	sld [smem:$0x3FA8]  }
0x2e: {  	s3 =	simm.s32 @!p0 $0x1082;
	s9 =	sld [smem:$0x3FA9]  }
0x2f: {  	lr =	sadd.s32 s0, s3;
	s0 =	sld [smem:$0x3FA0]  }
0x30: {  	s3 =	sld [smem:$0x3FA3]  }
0x31: {  	[smem:$0x3FAC] =	sst s10  }
0x32: {  	s10 =	sld [smem:$0x3FAA];
	_ =	sdelay $0x3  }
0x33: {  	p0 =	seq.s32 s10, $0x1;
	s10 =	sld [smem:$0x3FAC];
	_ =	sdelay $0x3  }
0x34: {  	[smem:$0x3FAC] =	sst s10  }
0x35: {  	s10 =	sld [smem:$0x3FAB];
	_ =	sdelay $0x3  }
0x36: {  	p1 =	seq.s32 s10, $0x1;
	s10 =	sld [smem:$0x3FAC];
	_ =	sdelay $0x3  }
0x37: {  	[smem:$0x3FAC] =	sst s10  }
0x38: {  	s10 =	sld [smem:$0x3FAD]  }
0x39: {  	_ = 	snop;
	(pc) =	sbr.ind lr, $3  }
0x3a: {  	_ = 	snop  }
0x3b: {  	_ = 	snop  }
0x3c: {  	p2 =	seq.s32 s10, $0x1;
	s10 =	sld [smem:$0x3FAC]  }
0x3d: {  	_ =	shalt  }
0x3e: {  	_ =	shalt  }
0x3f: {  	_ =	shalt  }
0x40: {  	_ =	shalt  }
0x41: {  	_ =	shalt  }
0x42: {  	_ =	shalt  }
0x43: {  	_ =	shalt  }
0x44: {  	_ =	shalt  }
0x45: {  	_ =	shalt  }
0x46: {  	_ =	shalt  }
0x47: {  	_ =	shalt  }
0x48: {  	_ =	shalt  }
0x49: {  	_ =	shalt  }
0x4a: {  	_ =	shalt  }
0x4b: {  	_ =	shalt  }
0x4c: {  	_ =	shalt  }
0x4d: {  	_ =	shalt  }
0x4e: {  	_ =	shalt  }
0x4f: {  	_ =	shalt  }
0x50: {  	_ =	shalt  }
0x51: {  	_ =	shalt  }
0x52: {  	_ =	shalt  }
0x53: {  	_ =	shalt  }
0x54: {  	_ =	shalt  }
0x55: {  	_ =	shalt  }
0x56: {  	_ =	shalt  }
0x57: {  	_ =	shalt  }
0x58: {  	_ =	shalt  }
0x59: {  	_ =	shalt  }
0x5a: {  	_ =	shalt  }
0x5b: {  	_ =	shalt  }
0x5c: {  	_ =	shalt  }
0x5d: {  	_ =	shalt  }
0x5e: {  	_ =	shalt  }
0x5f: {  	_ =	shalt  }
0x60: {  	_ =	shalt  }
0x61: {  	_ =	shalt  }
0x62: {  	_ =	shalt  }
0x63: {  	_ =	shalt  }
0x64: {  	_ =	shalt  }
0x65: {  	_ =	shalt  }
0x66: {  	_ =	shalt  }
0x67: {  	_ =	shalt  }
0x68: {  	_ =	shalt  }
0x69: {  	_ =	shalt  }
0x6a: {  	_ =	shalt  }
0x6b: {  	_ =	shalt  }
0x6c: {  	_ =	shalt  }
0x6d: {  	_ =	shalt  }
0x6e: {  	_ =	shalt  }
0x6f: {  	_ =	shalt  }
0x70: {  	_ =	shalt  }
0x71: {  	_ =	shalt  }
0x72: {  	_ =	shalt  }
0x73: {  	_ =	shalt  }
0x74: {  	_ =	shalt  }
0x75: {  	_ =	shalt  }
0x76: {  	_ =	shalt  }
0x77: {  	_ =	shalt  }
0x78: {  	_ =	shalt  }
0x79: {  	_ =	shalt  }
0x7a: {  	_ =	shalt  }
0x7b: {  	_ =	shalt  }
0x7c: {  	_ =	shalt  }
0x7d: {  	_ =	shalt  }
0x7e: {  	_ =	shalt  }
0x7f: {  	_ =	shalt  }
0x80: {  	_ =	shalt  }
0x81: {  	_ =	shalt  }
0x82: {  	_ =	shalt  }
0x83: {  	_ =	shalt  }
0x84: {  	_ =	shalt  }
0x85: {  	_ =	shalt  }
0x86: {  	_ =	shalt  }
0x87: {  	_ =	shalt  }
.Lfunc_end0:
.L_simem_size_0:
called_computation_lowered:
.L_overlay_start_0:
0x88: {  	s2 =	sld [smem:$0x3FD9]  }
0x89: {  	s3 =	sld [smem:$0x3FFE];
	_ =	sdelay $0x1  }
0x8a: {  	s1 =	srdreg.scid  }
0x8b: {  	s0 =	sand.u32 $0x1, s1  }
0x8c: {  	s16 =	sshll.u32 s0, $0xA;
	s2 =	sadd.s32 s3, s2  }
0x8d: {  	s2 =	sadd.s32 s2, s16  }
0x8e: {  	[smem:$0x3FB8] =	sst s2  }
0x8f: {  	_ = 	snop  }
0x90: {  	(tm) =	ssettm $0x1  }
0x91: {  	s17 =	sld [smem:$0x3FFB];
	_ =	sdelay $0x3  }
0x92: {  	_ =	strace s17  }
0x93: {  	s2 =	sld [smem:$0x3FFC];
	_ =	sdelay $0x3  }
0x94: {  	_ =	strace s2  }
0x95: {  	s2 =	sld [smem:$0x3FFD];
	_ =	sdelay $0x3  }
0x96: {  	_ =	strace s2  }
0x97: {  	_ =	strace $0x8FFFFFFF  }
0x98: {  	s18 =	sld [smem:$0x3FDB];
	_ =	sdelay $0x1  }
0x99: {  	s19 =	simm.s32 $_scs_section_size  }
0x9a: {  	s4 =	simm.s32 $_size__tile_overlayer_lowered;
	s5 =	simm.s32 $_tile_overlayer_lowered  }
0x9b: {  	s22 =	simm.s32 $0x1BFF;
	s21 =	sshll.u32 s5, $0x1;
	s2 =	sadd.s32 s19, s18  }
0x9c: {  	s6 =	simm.s32 $0x0;
	s20 =	sshll.u32 s4, $0x1;
	s4 =	sadd.s32 s21, s2  }
0x9d: {  	[timem:s6], [sflag:s22] =	dma.local [hbm:s4], s20  }
0x9e: {  	_ =	swait.ge [sflag:s22], s20  }
0x9f: {  	s3 =	ssub.s32 $0x0, s20;
	[sflag:s22] =	ssyncset.done $0x0  }
0xa0: {  	[sflag:s22] =	ssyncadd.s32 s3;
	_ =	sdelay $0x1  }
0xa1: {  	s23 =	simm.s32 $0x1B8B  }
0xa2: {  	_ =	swait.ge [sflag:s23], $0x1  }
0xa3: {  	[sflag:s23] =	ssyncset.done $0x0  }
0xa4: {  	s25 =	simm.s32 $0x1B8E;
	s24 =	sld [smem:$0x3FFE];
	[sflag:s23] =	ssyncadd.s32 $0xFFFFFFFF  }
0xa5: {  	s26 =	simm.s32 $execute0_lowered;
	[smem:$0x3FD2] =	sst s25  }
0xa6: {  	s4 =	sshll.u32 s26, $0x1;
	_ =	strace $0x80000046;
	[dreg:$0x1] =	wrdreg $0xFFFFFFFF  }
0xa7: {  	s28 =	simm.s32 $_size_execute0_lowered;
	s2 =	sadd.s32 s2, s4;
	[dreg:$0x0] =	wrdreg $0x0  }
0xa8: {  	s4 =	sshll.u32 s28, $0x1;
	[dreg:$0x2] =	wrdreg s2  }
0xa9: {  	[dreg:$0x3] =	wrdreg s4  }
0xaa: {  	[dreg:$0x4] =	wrdreg $0xC0  }
0xab: {  	_ =	task [dreg:s6], $0x5FFFF  }
0xac: {  	[dreg:$0x1] =	wrdreg $0xFFFFFFFF  }
0xad: {  	[dreg:$0x0] =	wrdreg $0x60  }
0xae: {  	[dreg:$0x2] =	wrdreg s24  }
0xaf: {  	[dreg:$0x3] =	wrdreg $0x9  }
0xb0: {  	_ =	task.clear_ibuf [dreg:s6], $0x4FFFF;
	_ =	strace $0x90000046  }
0xb1: {  	s29 =	simm.s32 $0x9;
	_ =	strace $0x80000048  }
0xb2: {  	_ =	swait.ge [sflag:s29], $0x1  }
0xb3: {  	[sflag:s29] =	ssyncadd.s32 $0xFFFFFFFF  }
0xb4: {  	_ =	strace $0x90000048  }
0xb5: {  	_ =	sfence  }
0xb6: {  	s30 =	sld [smem:$0x0];
	_ =	sdelay $0x2  }
0xb7: {  	s31 =	sshll.u32 s1, $0xD;
	s1 =	sshrl.u32 s1, $0x2  }
0xb8: {  	s3 =	sand.u32 $0x4000, s31;
	s1 =	sadd.s32 s1, s30  }
0xb9: {  	s0 =	sor.u32 s3, s0;
	s1 =	sshll.u32 s1, $0x11  }
0xba: {  	s0 =	sor.u32 s1, s0  }
0xbb: {  	s0 =	sadd.s32 $0x8F2B, s0  }
0xbc: {  	[sflag:s0] =	ssyncadd.remote.s32 $0x1  }
0xbd: {  	_ =	sfence.sel $0xFFFF  }
0xbe: {  	[dreg:$0x0] =	wrdreg $0xFFFFFFFF;
	(pc) =	sbr.abs _section_cstart, $3  }
0xbf: {  	[dreg:$0x1] =	wrdreg $0xFFFFFFFF  }
0xc0: {  	_ =	task.clear_ibuf [dreg:s6], $0x2FFFF;
	_ =	strace $0x9FFFFFFF  }
0xc1: {  	(tm) =	ssettm $0x7FFFFFFF  }
tec
execute0_lowered:
.L_overlay_start_1:
0x0: {  	(tag) =	ssettag $0x1  }
0x1: {  	s5 =	rddreg [dreg:$0x0]  }
0x2: {  	s0 =	rddreg [dreg:$0x1];
	s2 =	simm.s32 $0x0  }
0x3: {  	s3 =	srdreg.scid;
	s1 =	stileid.u32;
	s10 =	simm.s32 $0x80  }
0x4: {  	s11 =	simm.s32 $0x1;
	s12 =	simm.s32 $0x2;
	s13 =	simm.s32 $0xDD00  }
0x5: {  	s14 =	simm.s32 $0x1DD00;
	s6 =	sand.u32 $0x1, s3;
	s30 =	sshll.u32 s1, $0x1  }
0x6: {  	s15 =	simm.s32 $0x0;
	[smem:$0x7FF] =	sst s2;
	s7 =	sor.u32 s6, s30  }
0x7: {  	s3 =	sadd.s32 $0xF44400, s5;
	s4 =	sadd.s32 $0x5400, s5;
	s8 =	smul.u32 $0x1A0, s7  }
0x8: {  	_ =	strace $0x80000047;
	s6 =	ssub.s32 $0x2, s6;
	s7 =	sshll.u32 s7, $0xD  }
0x9: {  	s31 =	sshrl.u32 s6, $0x1;
	s7 =	sadd.s32 s7, s5;
	s8 =	sadd.s32 s8, s5  }
0xa: {  	s9 =	ssub.s32 s6, s31;
	s6 =	sadd.s32 $0x23E00, s7;
	s5 =	sadd.s32 $0x2000, s8  }
0xb: {  	v0 =	vimm.f32 $0.0e+00;
	s7 =	sadd.s32 $0x63E00, s8;
	s8 =	smax.u32 s9, $0x1;
	s9 =	simm.s32 $0x3  }
.LBB2_1:
0xc: {  	[tilespmem:s2], [sflag:$0x3] =	stream.linear.gather [hbm4b:s5+s2], $0xD00, $0x38;
	[tilespmem:$0x1EA00] =	vst v63  }
0xd: {  	_ =	swait.ge [sflag:s9], $0xD00  }
0xe: {  	[sflag:s9] =	ssyncset.done $0x0  }
0xf: {  	s16 =	simm.s32 $0xD00;
	s18 =	simm.s32 $0x0;
	[sflag:s9] =	ssyncadd.s32 $0xFFFFF300  }
0x10: {  	[tilespmem:s16], [sflag:$0x1] =	stream.indirect.gather [hbm4b:s3+s10], $0x10, s18, s10, $0xb8;
	[tilespmem:$0x1EA00] =	vst v63  }
0x11: {  	s19 =	simm.s32 $0x1DD00;
	s17 =	simm.s32 $0x1500;
	s16 =	simm.s32 $0x200  }
.LBB2_2:
0x12: {  	[tilespmem:s19], [sflag:$0x2] =	stream.indirect.gather [hbm4b:s4+s10], $0x1, s18, s10, $0xb8;
	[tilespmem:$0x1EA00] =	vst v63  }
0x13: {  	s18 =	smov.u32 s16;
	p0 =	sne.s32 s16, $0x3200  }
.Ltmp0:
0x14: {  	s16 =	sadd.s32 $0x200, s16;
	(pc) =	sbr.rel @p0 .LBB2_2-.Ltmp0, $4  }
0x15: {  	_ = 	snop  }
0x16: {  	s18 =	sshra.s32 s18, $0x2  }
0x17: {  	[tilespmem:s17], [sflag:$0x1] =	stream.indirect.gather [hbm4b:s3+s10], $0x10, s18, s10, $0xb8;
	[tilespmem:$0x1EA00] =	vst v63  }
0x18: {  	s19 =	sadd.s32 $0x1DD00, s18;
	s17 =	sadd.s32 $0x800, s17  }
0x19: {  	[tilespmem:s19], [sflag:$0x2] =	stream.indirect.gather [hbm4b:s4+s10], $0x1, s18, s10, $0xb8;
	[tilespmem:$0x1EA00] =	vst v63  }
0x1a: {  	_ =	swait.ge [sflag:s11], $0x800  }
0x1b: {  	[sflag:s11] =	ssyncset.done $0x0  }
0x1c: {  	[sflag:s11] =	ssyncadd.s32 $0xFFFFF800  }
0x1d: {  	_ =	swait.ge [sflag:s12], $0x80  }
0x1e: {  	s16 =	simm.s32 $0x19;
	[sflag:s12] =	ssyncset.done $0x0  }
.LBB2_4:
0x1f: {  	p0 =	sne.s32 s16, $0x1;
	s16 =	sadd.s32 $0xFFFFFFFF, s16;
	[sflag:s12] =	ssyncadd.s32 $0xFFFFFF80  }
.Ltmp1:
0x20: {  	_ =	swait.ge [sflag:s11], $0x800;
	(pc) =	sbr.rel @p0 .LBB2_4-.Ltmp1, $4  }
0x21: {  	[sflag:s11] =	ssyncset.done $0x0  }
0x22: {  	[sflag:s11] =	ssyncadd.s32 $0xFFFFF800  }
0x23: {  	_ =	swait.ge [sflag:s12], $0x80  }
0x24: {  	[sflag:s12] =	ssyncset.done $0x0  }
0x25: {  	[sflag:s12] =	ssyncadd.s32 $0xFFFFFF80;
	s17 =	simm.s32 $0x0  }
0x26: {  	v1 =	vld [tilespmem:s17+$0xD00];
	_ =	sdelay $0x3  }
0x27: {  	s16 =	simm.s32 $0xDE00  }
0x28: {  	[tilespmem:s16+$0xFFFFFF00] =	vst v1  }
0x29: {  	v1 =	vld [tilespmem:s17+$0xD10];
	_ =	sdelay $0x4  }
0x2a: {  	[tilespmem:s16+$0xFFFFFF10] =	vst v1  }
0x2b: {  	v1 =	vld [tilespmem:s17+$0xD20];
	_ =	sdelay $0x4  }
0x2c: {  	[tilespmem:s16+$0xFFFFFF20] =	vst v1  }
0x2d: {  	v1 =	vld [tilespmem:s17+$0xD30];
	_ =	sdelay $0x4  }
0x2e: {  	[tilespmem:s16+$0xFFFFFF30] =	vst v1  }
0x2f: {  	v1 =	vld [tilespmem:s17+$0xD40];
	_ =	sdelay $0x4  }
0x30: {  	[tilespmem:s16+$0xFFFFFF40] =	vst v1  }
0x31: {  	v1 =	vld [tilespmem:s17+$0xD50];
	_ =	sdelay $0x4  }
0x32: {  	[tilespmem:s16+$0xFFFFFF50] =	vst v1  }
0x33: {  	v1 =	vld [tilespmem:s17+$0xD60];
	_ =	sdelay $0x4  }
0x34: {  	[tilespmem:s16+$0xFFFFFF60] =	vst v1  }
0x35: {  	v1 =	vld [tilespmem:s17+$0xD70];
	_ =	sdelay $0x4  }
0x36: {  	[tilespmem:s16+$0xFFFFFF70] =	vst v1  }
0x37: {  	v1 =	vld [tilespmem:s17+$0xD80];
	_ =	sdelay $0x4  }
0x38: {  	[tilespmem:s16+$0xFFFFFF80] =	vst v1  }
0x39: {  	v1 =	vld [tilespmem:s17+$0xD90];
	_ =	sdelay $0x4  }
0x3a: {  	[tilespmem:s16+$0xFFFFFF90] =	vst v1  }
0x3b: {  	v1 =	vld [tilespmem:s17+$0xDA0];
	_ =	sdelay $0x4  }
0x3c: {  	[tilespmem:s16+$0xFFFFFFA0] =	vst v1  }
0x3d: {  	v1 =	vld [tilespmem:s17+$0xDB0];
	_ =	sdelay $0x4  }
0x3e: {  	[tilespmem:s16+$0xFFFFFFB0] =	vst v1  }
0x3f: {  	v1 =	vld [tilespmem:s17+$0xDC0];
	_ =	sdelay $0x4  }
0x40: {  	[tilespmem:s16+$0xFFFFFFC0] =	vst v1  }
0x41: {  	v1 =	vld [tilespmem:s17+$0xDD0];
	_ =	sdelay $0x4  }
0x42: {  	[tilespmem:s16+$0xFFFFFFD0] =	vst v1  }
0x43: {  	v1 =	vld [tilespmem:s17+$0xDE0];
	_ =	sdelay $0x4  }
0x44: {  	[tilespmem:s16+$0xFFFFFFE0] =	vst v1  }
0x45: {  	v1 =	vld [tilespmem:s17+$0xDF0];
	_ =	sdelay $0x4  }
0x46: {  	[tilespmem:s16+$0xFFFFFFF0] =	vst v1  }
0x47: {  	v1 =	vld [tilespmem:s17+$0xE00];
	_ =	sdelay $0x4  }
0x48: {  	[tilespmem:s16+$0x0] =	vst v1  }
0x49: {  	v1 =	vld [tilespmem:s17+$0xE10];
	_ =	sdelay $0x4  }
0x4a: {  	[tilespmem:s16+$0x10] =	vst v1  }
0x4b: {  	v1 =	vld [tilespmem:s17+$0xE20];
	_ =	sdelay $0x4  }
0x4c: {  	[tilespmem:s16+$0x20] =	vst v1  }
0x4d: {  	v1 =	vld [tilespmem:s17+$0xE30];
	_ =	sdelay $0x4  }
0x4e: {  	[tilespmem:s16+$0x30] =	vst v1  }
0x4f: {  	v1 =	vld [tilespmem:s17+$0xE40];
	_ =	sdelay $0x4  }
0x50: {  	[tilespmem:s16+$0x40] =	vst v1  }
0x51: {  	v1 =	vld [tilespmem:s17+$0xE50];
	_ =	sdelay $0x4  }
0x52: {  	[tilespmem:s16+$0x50] =	vst v1  }
0x53: {  	v1 =	vld [tilespmem:s17+$0xE60];
	_ =	sdelay $0x4  }
0x54: {  	[tilespmem:s16+$0x60] =	vst v1  }
0x55: {  	v1 =	vld [tilespmem:s17+$0xE70];
	_ =	sdelay $0x4  }
0x56: {  	[tilespmem:s16+$0x70] =	vst v1  }
0x57: {  	v1 =	vld [tilespmem:s17+$0xE80];
	_ =	sdelay $0x4  }
0x58: {  	[tilespmem:s16+$0x80] =	vst v1  }
0x59: {  	v1 =	vld [tilespmem:s17+$0xE90];
	[tilespmem:s16+$0xA0] =	vst v0  }
0x5a: {  	[tilespmem:s16+$0xB0] =	vst v0  }
0x5b: {  	[tilespmem:s16+$0xC0] =	vst v0  }
0x5c: {  	[tilespmem:s16+$0xD0] =	vst v0  }
0x5d: {  	[tilespmem:s16+$0xE0] =	vst v0  }
0x5e: {  	[tilespmem:s16+$0xF0] =	vst v0  }
0x5f: {  	s18 =	simm.s32 $0xD00;
	s17 =	simm.s32 $0x1A0;
	[tilespmem:s16+$0x90] =	vst v1  }
.LBB2_6:
0x60: {  	p0 =	sne.s32 s18, $0x33980;
	v1 =	vld [tilespmem:s17+$0xD00];
	_ =	sdelay $0x3  }
0x61: {  	s16 =	sadd.s32 $0x200, s16  }
0x62: {  	[tilespmem:s16+$0xFFFFFF00] =	vst v1  }
0x63: {  	v1 =	vld [tilespmem:s17+$0xD10];
	_ =	sdelay $0x4  }
0x64: {  	[tilespmem:s16+$0xFFFFFF10] =	vst v1  }
0x65: {  	v1 =	vld [tilespmem:s17+$0xD20];
	_ =	sdelay $0x4  }
0x66: {  	[tilespmem:s16+$0xFFFFFF20] =	vst v1  }
0x67: {  	v1 =	vld [tilespmem:s17+$0xD30];
	_ =	sdelay $0x4  }
0x68: {  	[tilespmem:s16+$0xFFFFFF30] =	vst v1  }
0x69: {  	v1 =	vld [tilespmem:s17+$0xD40];
	_ =	sdelay $0x4  }
0x6a: {  	[tilespmem:s16+$0xFFFFFF40] =	vst v1  }
0x6b: {  	v1 =	vld [tilespmem:s17+$0xD50];
	_ =	sdelay $0x4  }
0x6c: {  	[tilespmem:s16+$0xFFFFFF50] =	vst v1  }
0x6d: {  	v1 =	vld [tilespmem:s17+$0xD60];
	_ =	sdelay $0x4  }
0x6e: {  	[tilespmem:s16+$0xFFFFFF60] =	vst v1  }
0x6f: {  	v1 =	vld [tilespmem:s17+$0xD70];
	_ =	sdelay $0x4  }
0x70: {  	[tilespmem:s16+$0xFFFFFF70] =	vst v1  }
0x71: {  	v1 =	vld [tilespmem:s17+$0xD80];
	_ =	sdelay $0x4  }
0x72: {  	[tilespmem:s16+$0xFFFFFF80] =	vst v1  }
0x73: {  	v1 =	vld [tilespmem:s17+$0xD90];
	_ =	sdelay $0x4  }
0x74: {  	[tilespmem:s16+$0xFFFFFF90] =	vst v1  }
0x75: {  	v1 =	vld [tilespmem:s17+$0xDA0];
	_ =	sdelay $0x4  }
0x76: {  	[tilespmem:s16+$0xFFFFFFA0] =	vst v1  }
0x77: {  	v1 =	vld [tilespmem:s17+$0xDB0];
	_ =	sdelay $0x4  }
0x78: {  	[tilespmem:s16+$0xFFFFFFB0] =	vst v1  }
0x79: {  	v1 =	vld [tilespmem:s17+$0xDC0];
	_ =	sdelay $0x4  }
0x7a: {  	[tilespmem:s16+$0xFFFFFFC0] =	vst v1  }
0x7b: {  	v1 =	vld [tilespmem:s17+$0xDD0];
	_ =	sdelay $0x4  }
0x7c: {  	[tilespmem:s16+$0xFFFFFFD0] =	vst v1  }
0x7d: {  	v1 =	vld [tilespmem:s17+$0xDE0];
	_ =	sdelay $0x4  }
0x7e: {  	[tilespmem:s16+$0xFFFFFFE0] =	vst v1  }
0x7f: {  	v1 =	vld [tilespmem:s17+$0xDF0];
	_ =	sdelay $0x4  }
0x80: {  	[tilespmem:s16+$0xFFFFFFF0] =	vst v1  }
0x81: {  	v1 =	vld [tilespmem:s17+$0xE00];
	_ =	sdelay $0x4  }
0x82: {  	[tilespmem:s16+$0x0] =	vst v1  }
0x83: {  	v1 =	vld [tilespmem:s17+$0xE10];
	_ =	sdelay $0x4  }
0x84: {  	[tilespmem:s16+$0x10] =	vst v1  }
0x85: {  	v1 =	vld [tilespmem:s17+$0xE20];
	_ =	sdelay $0x4  }
0x86: {  	[tilespmem:s16+$0x20] =	vst v1  }
0x87: {  	v1 =	vld [tilespmem:s17+$0xE30];
	_ =	sdelay $0x4  }
0x88: {  	[tilespmem:s16+$0x30] =	vst v1  }
0x89: {  	v1 =	vld [tilespmem:s17+$0xE40];
	_ =	sdelay $0x4  }
0x8a: {  	[tilespmem:s16+$0x40] =	vst v1  }
0x8b: {  	v1 =	vld [tilespmem:s17+$0xE50];
	_ =	sdelay $0x4  }
0x8c: {  	[tilespmem:s16+$0x50] =	vst v1  }
0x8d: {  	v1 =	vld [tilespmem:s17+$0xE60];
	_ =	sdelay $0x4  }
0x8e: {  	[tilespmem:s16+$0x60] =	vst v1  }
0x8f: {  	v1 =	vld [tilespmem:s17+$0xE70];
	_ =	sdelay $0x4  }
0x90: {  	[tilespmem:s16+$0x70] =	vst v1  }
0x91: {  	v1 =	vld [tilespmem:s17+$0xE80];
	_ =	sdelay $0x4  }
0x92: {  	[tilespmem:s16+$0x80] =	vst v1  }
0x93: {  	v1 =	vld [tilespmem:s17+$0xE90];
	[tilespmem:s16+$0xA0] =	vst v0  }
0x94: {  	[tilespmem:s16+$0xB0] =	vst v0  }
.Ltmp2:
0x95: {  	[tilespmem:s16+$0xC0] =	vst v0;
	(pc) =	sbr.rel @p0 .LBB2_6-.Ltmp2, $4  }
0x96: {  	[tilespmem:s16+$0xD0] =	vst v0  }
0x97: {  	[tilespmem:s16+$0xE0] =	vst v0  }
0x98: {  	[tilespmem:s16+$0x90] =	vst v1  }
0x99: {  	s17 =	sshra.s32 s18, $0x2;
	s18 =	sadd.s32 $0x680, s18;
	[tilespmem:s16+$0xF0] =	vst v0  }
0x9a: {  	v1 =	vld [tilespmem:s17+$0xD00];
	_ =	sdelay $0x3  }
0x9b: {  	s16 =	sadd.s32 $0x200, s16  }
0x9c: {  	[tilespmem:s16+$0xFFFFFF00] =	vst v1  }
0x9d: {  	v1 =	vld [tilespmem:s17+$0xD10];
	_ =	sdelay $0x4  }
0x9e: {  	[tilespmem:s16+$0xFFFFFF10] =	vst v1  }
0x9f: {  	v1 =	vld [tilespmem:s17+$0xD20];
	_ =	sdelay $0x4  }
0xa0: {  	[tilespmem:s16+$0xFFFFFF20] =	vst v1  }
0xa1: {  	v1 =	vld [tilespmem:s17+$0xD30];
	_ =	sdelay $0x4  }
0xa2: {  	[tilespmem:s16+$0xFFFFFF30] =	vst v1  }
0xa3: {  	v1 =	vld [tilespmem:s17+$0xD40];
	_ =	sdelay $0x4  }
0xa4: {  	[tilespmem:s16+$0xFFFFFF40] =	vst v1  }
0xa5: {  	v1 =	vld [tilespmem:s17+$0xD50];
	_ =	sdelay $0x4  }
0xa6: {  	[tilespmem:s16+$0xFFFFFF50] =	vst v1  }
0xa7: {  	v1 =	vld [tilespmem:s17+$0xD60];
	_ =	sdelay $0x4  }
0xa8: {  	[tilespmem:s16+$0xFFFFFF60] =	vst v1  }
0xa9: {  	v1 =	vld [tilespmem:s17+$0xD70];
	_ =	sdelay $0x4  }
0xaa: {  	[tilespmem:s16+$0xFFFFFF70] =	vst v1  }
0xab: {  	v1 =	vld [tilespmem:s17+$0xD80];
	_ =	sdelay $0x4  }
0xac: {  	[tilespmem:s16+$0xFFFFFF80] =	vst v1  }
0xad: {  	v1 =	vld [tilespmem:s17+$0xD90];
	_ =	sdelay $0x4  }
0xae: {  	[tilespmem:s16+$0xFFFFFF90] =	vst v1  }
0xaf: {  	v1 =	vld [tilespmem:s17+$0xDA0];
	_ =	sdelay $0x4  }
0xb0: {  	[tilespmem:s16+$0xFFFFFFA0] =	vst v1  }
0xb1: {  	v1 =	vld [tilespmem:s17+$0xDB0];
	_ =	sdelay $0x4  }
0xb2: {  	[tilespmem:s16+$0xFFFFFFB0] =	vst v1  }
0xb3: {  	v1 =	vld [tilespmem:s17+$0xDC0];
	_ =	sdelay $0x4  }
0xb4: {  	[tilespmem:s16+$0xFFFFFFC0] =	vst v1  }
0xb5: {  	v1 =	vld [tilespmem:s17+$0xDD0];
	_ =	sdelay $0x4  }
0xb6: {  	[tilespmem:s16+$0xFFFFFFD0] =	vst v1  }
0xb7: {  	v1 =	vld [tilespmem:s17+$0xDE0];
	_ =	sdelay $0x4  }
0xb8: {  	[tilespmem:s16+$0xFFFFFFE0] =	vst v1  }
0xb9: {  	v1 =	vld [tilespmem:s17+$0xDF0];
	_ =	sdelay $0x4  }
0xba: {  	[tilespmem:s16+$0xFFFFFFF0] =	vst v1  }
0xbb: {  	v1 =	vld [tilespmem:s17+$0xE00];
	_ =	sdelay $0x4  }
0xbc: {  	[tilespmem:s16+$0x0] =	vst v1  }
0xbd: {  	v1 =	vld [tilespmem:s17+$0xE10];
	_ =	sdelay $0x4  }
0xbe: {  	[tilespmem:s16+$0x10] =	vst v1  }
0xbf: {  	v1 =	vld [tilespmem:s17+$0xE20];
	_ =	sdelay $0x4  }
0xc0: {  	[tilespmem:s16+$0x20] =	vst v1  }
0xc1: {  	v1 =	vld [tilespmem:s17+$0xE30];
	_ =	sdelay $0x4  }
0xc2: {  	[tilespmem:s16+$0x30] =	vst v1  }
0xc3: {  	v1 =	vld [tilespmem:s17+$0xE40];
	_ =	sdelay $0x4  }
0xc4: {  	[tilespmem:s16+$0x40] =	vst v1  }
0xc5: {  	v1 =	vld [tilespmem:s17+$0xE50];
	_ =	sdelay $0x4  }
0xc6: {  	[tilespmem:s16+$0x50] =	vst v1  }
0xc7: {  	v1 =	vld [tilespmem:s17+$0xE60];
	_ =	sdelay $0x4  }
0xc8: {  	[tilespmem:s16+$0x60] =	vst v1  }
0xc9: {  	v1 =	vld [tilespmem:s17+$0xE70];
	_ =	sdelay $0x4  }
0xca: {  	[tilespmem:s16+$0x70] =	vst v1  }
0xcb: {  	v1 =	vld [tilespmem:s17+$0xE80];
	_ =	sdelay $0x4  }
0xcc: {  	[tilespmem:s16+$0x80] =	vst v1  }
0xcd: {  	v1 =	vld [tilespmem:s17+$0xE90];
	[tilespmem:s16+$0xA0] =	vst v0  }
0xce: {  	[tilespmem:s16+$0xB0] =	vst v0  }
0xcf: {  	[tilespmem:s16+$0xC0] =	vst v0  }
0xd0: {  	[tilespmem:s16+$0xD0] =	vst v0  }
0xd1: {  	[tilespmem:s16+$0xE0] =	vst v0  }
0xd2: {  	[tilespmem:s16+$0xF0] =	vst v0  }
0xd3: {  	[tilespmem:s16+$0x90] =	vst v1  }
0xd4: {  	[hbm4b:s6+s2] =	stream.linear.scatter [tilespmem:s13], [sflag:$0x3], $0x10000, $0x38;
	[tilespmem:$0x1EA00] =	vst v63  }
0xd5: {  	s15 =	sadd.s32 $0x1, s15;
	_ =	swait.ge [sflag:s9], $0x10000  }
0xd6: {  	p0 =	sne.s32 s15, s8;
	[sflag:s9] =	ssyncset.done $0x0  }
.Ltmp3:
0xd7: {  	[sflag:s9] =	ssyncadd.s32 $0xFFFF0000;
	(pc) =	sbr.rel @p0 .LBB2_1-.Ltmp3, $4  }
0xd8: {  	[hbm4b:s7+s2] =	stream.linear.scatter [tilespmem:s14], [sflag:$0x3], $0xD00, $0x38;
	[tilespmem:$0x1EA00] =	vst v63  }
0xd9: {  	_ =	swait.ge [sflag:s9], $0xD00  }
0xda: {  	[sflag:s9] =	ssyncset.done $0x0  }
0xdb: {  	[sflag:s9] =	ssyncadd.s32 $0xFFFFF300  }
0xdc: {  	_ =	sfence.sel $0x180000  }
0xdd: {  	[bflag:$0x0] =	sbarrier.arrive $0xFFFF  }
0xde: {  	p0 =	sne.s32 s1, $0x0;
	_ =	strace $0x90000047  }
0xdf: {  	s0 =	sadd.s32 @!p0 $0x100000, s0;
	[bflag:$0x2] =	sbarrier.arrive $0xFFFF  }
0xe0: {  	[sflag:s0] =	ssyncadd.tile.s32 @!p0 $0x1;
	_ =	shalt  }
.Lfunc_end2:
_tile_overlayer_lowered:
.L_overlay_start_2:
0xe1: {  	(tag) =	ssettag $0x2  }
0xe2: {  	s0 =	rddreg [dreg:$0x0];
	s2 =	stileid.u32  }
0xe3: {  	s1 =	rddreg [dreg:$0x1];
	p0 =	sne.s32 s2, $0x0  }
0xe4: {  	s3 =	rddreg [dreg:$0x2];
	[bflag:$0x3] =	sbarrier.arrive $0xFFFF;
	s2 =	simm.s32 @!p0 $0x1C03  }
0xe5: {  	[timem:s3], [sflag:s2] =	dma.local @!p0 [hbm:s0], s1  }
0xe6: {  	s0 =	simm.s32 @!p0 $0x3  }
0xe7: {  	_ =	swait.ge @!p0 [sflag:s0], s1  }
0xe8: {  	s1 =	ssub.s32 @!p0 $0x0, s1;
	[sflag:s0] =	ssyncset.done @!p0 $0x0  }
0xe9: {  	[sflag:s0] =	ssyncadd.s32 @!p0 s1  }
0xea: {  	[bflag:$0x3] =	sbarrier.arrive $0xFFFF  }
0xeb: {  	_ =	shalt  }

</sc_bundles>
